<compile_context>
chip_gen: v7x
topology: tpu7x:2x2x1
jax: 0.10.2.dev20260603
libtpu: 0.0.44.dev20260713+nightly
codegen_flags: <defaults>
</compile_context>

<pallas_src>
import functools

import jax
import jax.numpy as jnp
from jax import lax
from jax.experimental import pallas as pl
from jax.experimental.pallas import tpu as pltpu
from jax.experimental.pallas import tpu_sc as plsc

NC = 2
NS = 16
CH = 80
PCH = 128
PB = 40


def _deg_kernel_body(n, rpt, rows_per_w):
    def body(dst_hbm, z16_hbm, ones_hbm, degp_hbm, didx, ones_v, zbuf, acc, sem):
        c = lax.axis_index("c")
        s = lax.axis_index("s")
        w = c * NS + s
        pltpu.sync_copy(dst_hbm.at[w], didx)
        pltpu.sync_copy(ones_hbm, ones_v)
        pltpu.sync_copy(z16_hbm, zbuf)
        pltpu.sync_copy(zbuf, acc.at[pl.ds(s * rpt, rpt)])
        plsc.subcore_barrier()

        @pl.loop(0, rows_per_w)
        def _(j):
            pltpu.sync_copy(ones_v, acc.at[didx.at[j]], add=True)

        plsc.subcore_barrier()
        pltpu.sync_copy(acc.at[pl.ds(s * rpt, rpt)], degp_hbm.at[c, s])

    return body


def _zero_acc(zd_hbm, rows0, acc, s, rpt):
    pltpu.sync_copy(zd_hbm, rows0)
    zch = rows0.shape[0]
    nfull = rpt // zch
    rem = rpt - nfull * zch

    @pl.loop(0, nfull)
    def _(k):
        pltpu.sync_copy(rows0, acc.at[pl.ds(s * rpt + k * zch, zch)])

    if rem:
        pltpu.sync_copy(rows0.at[pl.ds(0, rem)],
                        acc.at[pl.ds(s * rpt + nfull * zch, rem)])


def _prop_block(tab, sidx, didx, rows0, rows1, acc, gsem, ssem, nrows):
    assert nrows % 2 == 0
    pltpu.async_copy(tab.at[sidx.at[0]], rows0, gsem)
    pltpu.async_copy(tab.at[sidx.at[1]], rows1, gsem)

    @pl.loop(0, nrows // 2)
    def _(k):
        j = 2 * k
        pltpu.make_async_copy(tab.at[sidx.at[0]], rows0, gsem).wait()
        pltpu.async_copy(rows0, acc.at[didx.at[j]], ssem, add=True)
        pltpu.make_async_copy(tab.at[sidx.at[0]], rows1, gsem).wait()
        pltpu.async_copy(rows1, acc.at[didx.at[j + 1]], ssem, add=True)
        pltpu.make_async_copy(rows0, acc.at[didx.at[0]], ssem).wait()

        @pl.when(j + 2 < nrows)
        def _():
            pltpu.async_copy(tab.at[sidx.at[j + 2]], rows0, gsem)

        pltpu.make_async_copy(rows1, acc.at[didx.at[0]], ssem).wait()

        @pl.when(j + 3 < nrows)
        def _():
            pltpu.async_copy(tab.at[sidx.at[j + 3]], rows1, gsem)


def _prop_body(rpt, nblk, edge_split):

    def body(tab_hbm, src_hbm, dst_hbm, zd_hbm, out_hbm,
             sidx, didx, rows0, rows1, acc, gsem, ssem):
        c = lax.axis_index("c")
        s = lax.axis_index("s")
        _zero_acc(zd_hbm, rows0, acc, s, rpt)
        plsc.subcore_barrier()
        pb = sidx.shape[0]

        @pl.loop(0, nblk)
        def _(h):
            if edge_split:
                blk = (c * NS + s) * nblk + h
                pltpu.sync_copy(src_hbm.at[blk], sidx)
            else:
                blk = s * nblk + h
                pltpu.sync_copy(src_hbm.at[c, blk], sidx)
            pltpu.sync_copy(dst_hbm.at[blk], didx)
            _prop_block(tab_hbm, sidx, didx, rows0, rows1, acc, gsem, ssem,
                        pb)

        plsc.subcore_barrier()
        pltpu.sync_copy(acc.at[pl.ds(s * rpt, rpt)], out_hbm.at[c, s])

    return body


def _prep_body(degp_ref, x_ref, xs_ref, dinv_ref, dinv2_ref):
    deg = degp_ref[0, :, 0:1] + degp_ref[1, :, 0:1] + 1.0
    dinv = lax.rsqrt(deg)
    dinv_ref[...] = dinv
    dinv2_ref[...] = 1.0 / deg
    xs_ref[...] = x_ref[...] * dinv


def _main_body(p1_ref, x_ref, dinv_ref, dinv2_ref, w1_ref, b1_ref, a_ref,
               w2_ref, t_ref, tsa_ref, tsb_ref):
    d = x_ref.shape[1]
    dinv = dinv_ref[...]
    s1 = dinv * (p1_ref[0] + p1_ref[1]) + dinv2_ref[...] * x_ref[...]
    h = jnp.dot(s1, w1_ref[...], preferred_element_type=jnp.float32) + b1_ref[...]
    a = a_ref[0, 0]
    h = jnp.where(h >= 0, h, a * h)
    t = jnp.dot(h, w2_ref[...], preferred_element_type=jnp.float32)
    t_ref[...] = t
    ts = dinv * t
    tsa_ref[...] = ts[:, :d]
    tsb_ref[...] = ts[:, d:]


def _final_body(p2_ref, t_ref, dinv_ref, dinv2_ref, b2_ref, out_ref):
    agg = jnp.concatenate([p2_ref[0], p2_ref[1]], axis=1)
    out_ref[...] = dinv_ref[...] * agg + dinv2_ref[...] * t_ref[...] + b2_ref[...]


def kernel(x, edge_index, W1, b1, prelu_a, W2, b2):
    n, d_in = x.shape
    e = edge_index.shape[1]
    d_mid = W1.shape[1]
    d_out = W2.shape[1]
    dh = d_out // 2
    assert d_in == dh, (d_in, dh)
    nr = e // CH
    rpt = n // NS
    rows_w1 = nr // (NC * NS)

    dst32 = edge_index[1].reshape(NC * NS, rows_w1, CH)
    z16 = jnp.zeros((rpt, 16), jnp.float32)
    zd = jnp.zeros((PCH, d_in), jnp.float32)
    ones16 = jnp.ones((CH, 16), jnp.float32)
    z1 = jnp.zeros((1, d_in), jnp.float32)

    nblk1 = 2
    e_pad = NC * NS * nblk1 * PB * PCH
    npad = e_pad - e
    srcp = jnp.concatenate([edge_index[0],
                            jnp.full((npad,), n, edge_index.dtype)])
    dstp = jnp.concatenate([edge_index[1],
                            jnp.zeros((npad,), edge_index.dtype)])
    srcv1 = srcp.reshape(NC * NS * nblk1, PB, PCH)
    dstv = dstp.reshape(NC * NS * nblk1, PB, PCH)
    nblk2 = nblk1 * NC
    srcv2 = jnp.stack([srcp, srcp + (n + 1)]).reshape(
        NC, NC * NS * nblk1, PB, PCH)

    mesh = plsc.VectorSubcoreMesh(core_axis_name="c", subcore_axis_name="s")
    sc_params = pltpu.CompilerParams(use_tc_tiling_on_sc=False)

    deg_call = functools.partial(
        pl.kernel,
        out_type=jax.ShapeDtypeStruct((NC, NS, rpt, 16), jnp.float32),
        mesh=mesh,
        compiler_params=sc_params,
        scratch_types=[
            pltpu.VMEM((rows_w1, CH), jnp.int32),
            pltpu.VMEM((CH, 16), jnp.float32),
            pltpu.VMEM((rpt, 16), jnp.float32),
            pltpu.VMEM_SHARED((n, 16), jnp.float32),
            pltpu.SemaphoreType.DMA,
        ],
    )(_deg_kernel_body(n, rpt, rows_w1))
    degp = deg_call(dst32, z16, ones16).reshape(NC, n, 16)

    xs, dinv, dinv2 = pl.pallas_call(
        _prep_body,
        out_shape=[
            jax.ShapeDtypeStruct((n, d_in), jnp.float32),
            jax.ShapeDtypeStruct((n, 1), jnp.float32),
            jax.ShapeDtypeStruct((n, 1), jnp.float32),
        ],
    )(degp, x)

    xsp = jnp.concatenate([xs, z1])
    prop1_call = functools.partial(
        pl.kernel,
        out_type=jax.ShapeDtypeStruct((NC, NS, rpt, d_in), jnp.float32),
        mesh=mesh,
        compiler_params=sc_params,
        scratch_types=[
            pltpu.VMEM((PB, PCH), jnp.int32),
            pltpu.VMEM((PB, PCH), jnp.int32),
            pltpu.VMEM((PCH, d_in), jnp.float32),
            pltpu.VMEM((PCH, d_in), jnp.float32),
            pltpu.VMEM_SHARED((n, d_in), jnp.float32),
            pltpu.SemaphoreType.DMA,
            pltpu.SemaphoreType.DMA,
        ],
    )(_prop_body(rpt, nblk1, True))
    p1 = prop1_call(xsp, srcv1, dstv, zd).reshape(NC, n, d_in)

    blk = 2000
    grid = n // blk
    t, tsa, tsb = pl.pallas_call(
        _main_body,
        grid=(grid,),
        in_specs=[
            pl.BlockSpec((NC, blk, d_in), lambda i: (0, i, 0)),
            pl.BlockSpec((blk, d_in), lambda i: (i, 0)),
            pl.BlockSpec((blk, 1), lambda i: (i, 0)),
            pl.BlockSpec((blk, 1), lambda i: (i, 0)),
            pl.BlockSpec((d_in, d_mid), lambda i: (0, 0)),
            pl.BlockSpec((1, d_mid), lambda i: (0, 0)),
            pl.BlockSpec((1, 1), lambda i: (0, 0)),
            pl.BlockSpec((d_mid, d_out), lambda i: (0, 0)),
        ],
        out_specs=[
            pl.BlockSpec((blk, d_out), lambda i: (i, 0)),
            pl.BlockSpec((blk, dh), lambda i: (i, 0)),
            pl.BlockSpec((blk, dh), lambda i: (i, 0)),
        ],
        out_shape=[
            jax.ShapeDtypeStruct((n, d_out), jnp.float32),
            jax.ShapeDtypeStruct((n, dh), jnp.float32),
            jax.ShapeDtypeStruct((n, dh), jnp.float32),
        ],
    )(p1, x, dinv, dinv2, W1, b1.reshape(1, d_mid), prelu_a.reshape(1, 1), W2)

    tss = jnp.concatenate([tsa, z1, tsb, z1])
    prop2_call = functools.partial(
        pl.kernel,
        out_type=jax.ShapeDtypeStruct((NC, NS, rpt, dh), jnp.float32),
        mesh=mesh,
        compiler_params=sc_params,
        scratch_types=[
            pltpu.VMEM((PB, PCH), jnp.int32),
            pltpu.VMEM((PB, PCH), jnp.int32),
            pltpu.VMEM((PCH, dh), jnp.float32),
            pltpu.VMEM((PCH, dh), jnp.float32),
            pltpu.VMEM_SHARED((n, dh), jnp.float32),
            pltpu.SemaphoreType.DMA,
            pltpu.SemaphoreType.DMA,
        ],
    )(_prop_body(rpt, nblk2, False))
    p2 = prop2_call(tss, srcv2, dstv, zd).reshape(NC, n, dh)

    out = pl.pallas_call(
        _final_body,
        grid=(grid,),
        in_specs=[
            pl.BlockSpec((NC, blk, dh), lambda i: (0, i, 0)),
            pl.BlockSpec((blk, d_out), lambda i: (i, 0)),
            pl.BlockSpec((blk, 1), lambda i: (i, 0)),
            pl.BlockSpec((blk, 1), lambda i: (i, 0)),
            pl.BlockSpec((1, d_out), lambda i: (0, 0)),
        ],
        out_specs=pl.BlockSpec((blk, d_out), lambda i: (i, 0)),
        out_shape=jax.ShapeDtypeStruct((n, d_out), jnp.float32),
    )(p2, t, dinv, dinv2, b2.reshape(1, d_out))
    return out

# --- scband reference (transcript-rebuilt; emitter-appended) ---
"""Pipeline reference for scband-gcnmodel-10428180595389 (READ-ONLY COPY).

The authoritative reference and input builder live on the scoring server;
editing this copy changes nothing except your own understanding.
"""

import jax, jax.numpy as jnp
import numpy as np


def gcn_conv(x, edge_index, W, b):
    # Faithful PyG GCNConv: add self-loops, symmetric normalization D^-1/2 (A+I) D^-1/2 X W + b
    n = x.shape[0]
    loop = jnp.arange(n, dtype=edge_index.dtype)
    src = jnp.concatenate([edge_index[0], loop])
    dst = jnp.concatenate([edge_index[1], loop])
    xw = x @ W
    deg = jax.ops.segment_sum(jnp.ones(src.shape[0], dtype=xw.dtype), dst, num_segments=n)
    dinv = jnp.where(deg > 0, 1.0 / jnp.sqrt(deg), 0.0)
    norm = dinv[src] * dinv[dst]
    msgs = xw[src] * norm[:, None]
    out = jax.ops.segment_sum(msgs, dst, num_segments=n)
    return out + b


def setup_inputs(seed: int = 0):
    key = jax.random.key(seed)
    ks = jax.random.split(key, 4)
    N = 10000
    E = 320000
    d_in = 128
    d_mid = 512
    d_hidden = 256
    x = jax.random.normal(ks[0], (N, d_in), dtype=jnp.float32)
    edge_index = jax.random.randint(ks[1], (2, E), 0, N, dtype=jnp.int32)
    W1 = jax.random.normal(ks[2], (d_in, d_mid), dtype=jnp.float32) * (1.0 / np.sqrt(d_in))
    b1 = jnp.zeros((d_mid,), dtype=jnp.float32)
    prelu_a = jnp.full((1,), 0.25, dtype=jnp.float32)
    W2 = jax.random.normal(ks[3], (d_mid, d_hidden), dtype=jnp.float32) * (1.0 / np.sqrt(d_mid))
    b2 = jnp.zeros((d_hidden,), dtype=jnp.float32)
    return {"x": x, "edge_index": edge_index, "W1": W1, "b1": b1, "prelu_a": prelu_a, "W2": W2, "b2": b2}


def reference(x, edge_index, W1, b1, prelu_a, W2, b2):
    h = gcn_conv(x, edge_index, W1, b1)
    # PReLU activation (single shared parameter); dropout is identity in eval mode
    h = jnp.where(h >= 0, h, prelu_a * h)
    out = gcn_conv(h, edge_index, W2, b2)
    return out

if __name__ == "__main__":
    import jax
    _d = setup_inputs()
    print(jax.jit(kernel)(*tuple(_d.values())))

</pallas_src>

<mosaic_0001>
#map = affine_map<(d0, d1) -> (0, 0)>
#map1 = affine_map<(d0, d1) -> (0, 0, 0, 0)>
#map2 = affine_map<(d0, d1) -> (0, 0, 0)>
module attributes {stable_mosaic.version = 14 : i64} {
  func.func @body(%arg0: i32, %arg1: i32, %arg2: memref<20002x128xf32, #tpu.memory_space<hbm>>, %arg3: memref<2x64x40x128xi32, #tpu.memory_space<hbm>>, %arg4: memref<64x40x128xi32, #tpu.memory_space<hbm>>, %arg5: memref<128x128xf32, #tpu.memory_space<hbm>>, %arg6: memref<2x16x625x128xf32, #tpu.memory_space<hbm>>, %arg7: memref<40x128xi32, #tpu.memory_space<vmem>>, %arg8: memref<40x128xi32, #tpu.memory_space<vmem>>, %arg9: memref<128x128xf32, #tpu.memory_space<vmem>>, %arg10: memref<128x128xf32, #tpu.memory_space<vmem>>, %arg11: memref<10000x128xf32, #tpu.memory_space<vmem_shared>>, %arg12: memref<!tpu.dma_semaphore, #tpu.memory_space<semaphore_mem>>, %arg13: memref<!tpu.dma_semaphore, #tpu.memory_space<semaphore_mem>>) attributes {dimension_semantics = [#tpu.dimension_semantics<core_parallel>, #tpu.dimension_semantics<subcore_parallel>], iteration_bounds = array<i64: 2, 16>, scalar_prefetch = 0 : i64, scratch_operands = 7 : i64, tpu.core_type = #tpu.core_type<sc_vector_subcore>, window_params = [{transform_indices = #map}, {transform_indices = #map1}, {transform_indices = #map2}, {transform_indices = #map}, {transform_indices = #map1}]} {
    "tpu.region"() ({
      %run_scoped3A = tpu.sem_alloc : memref<!tpu.dma_semaphore, #tpu.memory_space<semaphore_mem>>
      tpu.enqueue_dma source(%arg5 : memref<128x128xf32, #tpu.memory_space<hbm>>) target(%arg9 : memref<128x128xf32, #tpu.memory_space<vmem>>) target_semaphore(%run_scoped3A : memref<!tpu.dma_semaphore, #tpu.memory_space<semaphore_mem>>)
      tpu.wait_dma2 semaphore(%run_scoped3A : memref<!tpu.dma_semaphore, #tpu.memory_space<semaphore_mem>>) src(%arg5 : memref<128x128xf32, #tpu.memory_space<hbm>>) dst(%arg9 : memref<128x128xf32, #tpu.memory_space<vmem>>)
      tpu.yield
    }) : () -> ()
    %scan3A = arith.constant 0 : i32
    %scan3A_0 = arith.constant 4 : i32
    %scan3A_1 = arith.addi %scan3A, %scan3A_0 : i32
    %scan3A_2 = arith.constant 1 : i32
    scf.for %scan3A_14 = %scan3A to %scan3A_1 step %scan3A_2  : i32 {
      %mul3A_15 = arith.constant 1 : i32
      %mul3A_16 = arith.muli %scan3A_14, %mul3A_15 : i32
      %add3A_17 = arith.constant 0 : i32
      %add3A_18 = arith.addi %add3A_17, %mul3A_16 : i32
      %mul3A_19 = arith.constant 625 : i32
      %mul3A_20 = arith.muli %arg1, %mul3A_19 : i32
      %mul3A_21 = arith.constant 128 : i32
      %mul3A_22 = arith.muli %add3A_18, %mul3A_21 : i32
      %add3A_23 = arith.addi %mul3A_20, %mul3A_22 : i32
      "tpu.region"() ({
        %run_scoped3A = tpu.sem_alloc : memref<!tpu.dma_semaphore, #tpu.memory_space<semaphore_mem>>
        %dma_start3A = arith.constant 0 : i32
        %dma_start3A_24 = tpu.memref_slice %arg11[%add3A_23, %dma_start3A] : memref<10000x128xf32, #tpu.memory_space<vmem_shared>> -> memref<128x128xf32, #tpu.memory_space<vmem_shared>>
        %dma_start3A_25 = arith.constant 0 : i32
        %dma_start3A_26 = tpu.memref_slice %arg11[%add3A_23, %dma_start3A_25] : memref<10000x128xf32, #tpu.memory_space<vmem_shared>> -> memref<128x128xf32, #tpu.memory_space<vmem_shared>>
        tpu.enqueue_dma source(%arg9 : memref<128x128xf32, #tpu.memory_space<vmem>>) target(%dma_start3A_26 : memref<128x128xf32, #tpu.memory_space<vmem_shared>>) target_semaphore(%run_scoped3A : memref<!tpu.dma_semaphore, #tpu.memory_space<semaphore_mem>>)
        %dma_wait3A = arith.constant 0 : i32
        %dma_wait3A_27 = tpu.memref_slice %arg11[%add3A_23, %dma_wait3A] : memref<10000x128xf32, #tpu.memory_space<vmem_shared>> -> memref<128x128xf32, #tpu.memory_space<vmem_shared>>
        %dma_wait3A_28 = arith.constant 0 : i32
        %dma_wait3A_29 = tpu.memref_slice %arg11[%add3A_23, %dma_wait3A_28] : memref<10000x128xf32, #tpu.memory_space<vmem_shared>> -> memref<128x128xf32, #tpu.memory_space<vmem_shared>>
        tpu.wait_dma2 semaphore(%run_scoped3A : memref<!tpu.dma_semaphore, #tpu.memory_space<semaphore_mem>>) src(%arg9 : memref<128x128xf32, #tpu.memory_space<vmem>>) dst(%dma_wait3A_29 : memref<128x128xf32, #tpu.memory_space<vmem_shared>>)
        tpu.yield
      }) : () -> ()
    }
    %scan3A_3 = arith.constant 4 : i32
    %mul3A = arith.constant 625 : i32
    %mul3A_4 = arith.muli %arg1, %mul3A : i32
    %add3A = arith.constant 512 : i32
    %add3A_5 = arith.addi %mul3A_4, %add3A : i32
    "tpu.region"() ({
      %run_scoped3A = tpu.sem_alloc : memref<!tpu.dma_semaphore, #tpu.memory_space<semaphore_mem>>
      %dma_start3A = arith.constant 0 : i32
      %dma_start3A_14 = arith.constant 0 : i32
      %dma_start3A_15 = tpu.memref_slice %arg9[%dma_start3A, %dma_start3A_14] : memref<128x128xf32, #tpu.memory_space<vmem>> -> memref<113x128xf32, #tpu.memory_space<vmem>>
      %dma_start3A_16 = arith.constant 0 : i32
      %dma_start3A_17 = tpu.memref_slice %arg11[%add3A_5, %dma_start3A_16] : memref<10000x128xf32, #tpu.memory_space<vmem_shared>> -> memref<113x128xf32, #tpu.memory_space<vmem_shared>>
      %dma_start3A_18 = arith.constant 0 : i32
      %dma_start3A_19 = tpu.memref_slice %arg11[%add3A_5, %dma_start3A_18] : memref<10000x128xf32, #tpu.memory_space<vmem_shared>> -> memref<113x128xf32, #tpu.memory_space<vmem_shared>>
      %dma_start3A_20 = arith.constant 0 : i32
      %dma_start3A_21 = arith.constant 0 : i32
      %dma_start3A_22 = tpu.memref_slice %arg9[%dma_start3A_20, %dma_start3A_21] : memref<128x128xf32, #tpu.memory_space<vmem>> -> memref<113x128xf32, #tpu.memory_space<vmem>>
      tpu.enqueue_dma source(%dma_start3A_22 : memref<113x128xf32, #tpu.memory_space<vmem>>) target(%dma_start3A_19 : memref<113x128xf32, #tpu.memory_space<vmem_shared>>) target_semaphore(%run_scoped3A : memref<!tpu.dma_semaphore, #tpu.memory_space<semaphore_mem>>)
      %dma_wait3A = arith.constant 0 : i32
      %dma_wait3A_23 = arith.constant 0 : i32
      %dma_wait3A_24 = tpu.memref_slice %arg9[%dma_wait3A, %dma_wait3A_23] : memref<128x128xf32, #tpu.memory_space<vmem>> -> memref<113x128xf32, #tpu.memory_space<vmem>>
      %dma_wait3A_25 = arith.constant 0 : i32
      %dma_wait3A_26 = tpu.memref_slice %arg11[%add3A_5, %dma_wait3A_25] : memref<10000x128xf32, #tpu.memory_space<vmem_shared>> -> memref<113x128xf32, #tpu.memory_space<vmem_shared>>
      %dma_wait3A_27 = arith.constant 0 : i32
      %dma_wait3A_28 = tpu.memref_slice %arg11[%add3A_5, %dma_wait3A_27] : memref<10000x128xf32, #tpu.memory_space<vmem_shared>> -> memref<113x128xf32, #tpu.memory_space<vmem_shared>>
      %dma_wait3A_29 = arith.constant 0 : i32
      %dma_wait3A_30 = arith.constant 0 : i32
      %dma_wait3A_31 = tpu.memref_slice %arg9[%dma_wait3A_29, %dma_wait3A_30] : memref<128x128xf32, #tpu.memory_space<vmem>> -> memref<113x128xf32, #tpu.memory_space<vmem>>
      tpu.wait_dma2 semaphore(%run_scoped3A : memref<!tpu.dma_semaphore, #tpu.memory_space<semaphore_mem>>) src(%dma_wait3A_31 : memref<113x128xf32, #tpu.memory_space<vmem>>) dst(%dma_wait3A_28 : memref<113x128xf32, #tpu.memory_space<vmem_shared>>)
      tpu.yield
    }) : () -> ()
    %barrier3A = arith.constant 0 : index
    tpu.barrier barrier_id(%barrier3A)
    %scan3A_6 = arith.constant 0 : i32
    %scan3A_7 = arith.constant 4 : i32
    %scan3A_8 = arith.addi %scan3A_6, %scan3A_7 : i32
    %scan3A_9 = arith.constant 1 : i32
    scf.for %scan3A_14 = %scan3A_6 to %scan3A_8 step %scan3A_9  : i32 {
      %mul3A_15 = arith.constant 1 : i32
      %mul3A_16 = arith.muli %scan3A_14, %mul3A_15 : i32
      %add3A_17 = arith.constant 0 : i32
      %add3A_18 = arith.addi %add3A_17, %mul3A_16 : i32
      %mul3A_19 = arith.constant 4 : i32
      %mul3A_20 = arith.muli %arg1, %mul3A_19 : i32
      %add3A_21 = arith.addi %mul3A_20, %add3A_18 : i32
      "tpu.region"() ({
        %run_scoped3A = tpu.sem_alloc : memref<!tpu.dma_semaphore, #tpu.memory_space<semaphore_mem>>
        %dma_start3A_40 = arith.constant 0 : i32
        %dma_start3A_41 = arith.constant 0 : i32
        %dma_start3A_42 = tpu.memref_slice %arg3[%arg0, %add3A_21, %dma_start3A_40, %dma_start3A_41] : memref<2x64x40x128xi32, #tpu.memory_space<hbm>> -> memref<1x1x40x128xi32, #tpu.memory_space<hbm>>
        %dma_start3A_43 = tpu.memref_squeeze %dma_start3A_42 : memref<1x1x40x128xi32, #tpu.memory_space<hbm>> -> memref<40x128xi32, #tpu.memory_space<hbm>>
        %dma_start3A_44 = arith.constant 0 : i32
        %dma_start3A_45 = arith.constant 0 : i32
        %dma_start3A_46 = tpu.memref_slice %arg3[%arg0, %add3A_21, %dma_start3A_44, %dma_start3A_45] : memref<2x64x40x128xi32, #tpu.memory_space<hbm>> -> memref<1x1x40x128xi32, #tpu.memory_space<hbm>>
        %dma_start3A_47 = tpu.memref_squeeze %dma_start3A_46 : memref<1x1x40x128xi32, #tpu.memory_space<hbm>> -> memref<40x128xi32, #tpu.memory_space<hbm>>
        tpu.enqueue_dma source(%dma_start3A_47 : memref<40x128xi32, #tpu.memory_space<hbm>>) target(%arg7 : memref<40x128xi32, #tpu.memory_space<vmem>>) target_semaphore(%run_scoped3A : memref<!tpu.dma_semaphore, #tpu.memory_space<semaphore_mem>>)
        %dma_wait3A = arith.constant 0 : i32
        %dma_wait3A_48 = arith.constant 0 : i32
        %dma_wait3A_49 = tpu.memref_slice %arg3[%arg0, %add3A_21, %dma_wait3A, %dma_wait3A_48] : memref<2x64x40x128xi32, #tpu.memory_space<hbm>> -> memref<1x1x40x128xi32, #tpu.memory_space<hbm>>
        %dma_wait3A_50 = tpu.memref_squeeze %dma_wait3A_49 : memref<1x1x40x128xi32, #tpu.memory_space<hbm>> -> memref<40x128xi32, #tpu.memory_space<hbm>>
        %dma_wait3A_51 = arith.constant 0 : i32
        %dma_wait3A_52 = arith.constant 0 : i32
        %dma_wait3A_53 = tpu.memref_slice %arg3[%arg0, %add3A_21, %dma_wait3A_51, %dma_wait3A_52] : memref<2x64x40x128xi32, #tpu.memory_space<hbm>> -> memref<1x1x40x128xi32, #tpu.memory_space<hbm>>
        %dma_wait3A_54 = tpu.memref_squeeze %dma_wait3A_53 : memref<1x1x40x128xi32, #tpu.memory_space<hbm>> -> memref<40x128xi32, #tpu.memory_space<hbm>>
        tpu.wait_dma2 semaphore(%run_scoped3A : memref<!tpu.dma_semaphore, #tpu.memory_space<semaphore_mem>>) src(%dma_wait3A_54 : memref<40x128xi32, #tpu.memory_space<hbm>>) dst(%arg7 : memref<40x128xi32, #tpu.memory_space<vmem>>)
        tpu.yield
      }) : () -> ()
      "tpu.region"() ({
        %run_scoped3A = tpu.sem_alloc : memref<!tpu.dma_semaphore, #tpu.memory_space<semaphore_mem>>
        %dma_start3A_40 = arith.constant 0 : i32
        %dma_start3A_41 = arith.constant 0 : i32
        %dma_start3A_42 = tpu.memref_slice %arg4[%add3A_21, %dma_start3A_40, %dma_start3A_41] : memref<64x40x128xi32, #tpu.memory_space<hbm>> -> memref<1x40x128xi32, #tpu.memory_space<hbm>>
        %dma_start3A_43 = tpu.memref_squeeze %dma_start3A_42 : memref<1x40x128xi32, #tpu.memory_space<hbm>> -> memref<40x128xi32, #tpu.memory_space<hbm>>
        %dma_start3A_44 = arith.constant 0 : i32
        %dma_start3A_45 = arith.constant 0 : i32
        %dma_start3A_46 = tpu.memref_slice %arg4[%add3A_21, %dma_start3A_44, %dma_start3A_45] : memref<64x40x128xi32, #tpu.memory_space<hbm>> -> memref<1x40x128xi32, #tpu.memory_space<hbm>>
        %dma_start3A_47 = tpu.memref_squeeze %dma_start3A_46 : memref<1x40x128xi32, #tpu.memory_space<hbm>> -> memref<40x128xi32, #tpu.memory_space<hbm>>
        tpu.enqueue_dma source(%dma_start3A_47 : memref<40x128xi32, #tpu.memory_space<hbm>>) target(%arg8 : memref<40x128xi32, #tpu.memory_space<vmem>>) target_semaphore(%run_scoped3A : memref<!tpu.dma_semaphore, #tpu.memory_space<semaphore_mem>>)
        %dma_wait3A = arith.constant 0 : i32
        %dma_wait3A_48 = arith.constant 0 : i32
        %dma_wait3A_49 = tpu.memref_slice %arg4[%add3A_21, %dma_wait3A, %dma_wait3A_48] : memref<64x40x128xi32, #tpu.memory_space<hbm>> -> memref<1x40x128xi32, #tpu.memory_space<hbm>>
        %dma_wait3A_50 = tpu.memref_squeeze %dma_wait3A_49 : memref<1x40x128xi32, #tpu.memory_space<hbm>> -> memref<40x128xi32, #tpu.memory_space<hbm>>
        %dma_wait3A_51 = arith.constant 0 : i32
        %dma_wait3A_52 = arith.constant 0 : i32
        %dma_wait3A_53 = tpu.memref_slice %arg4[%add3A_21, %dma_wait3A_51, %dma_wait3A_52] : memref<64x40x128xi32, #tpu.memory_space<hbm>> -> memref<1x40x128xi32, #tpu.memory_space<hbm>>
        %dma_wait3A_54 = tpu.memref_squeeze %dma_wait3A_53 : memref<1x40x128xi32, #tpu.memory_space<hbm>> -> memref<40x128xi32, #tpu.memory_space<hbm>>
        tpu.wait_dma2 semaphore(%run_scoped3A : memref<!tpu.dma_semaphore, #tpu.memory_space<semaphore_mem>>) src(%dma_wait3A_54 : memref<40x128xi32, #tpu.memory_space<hbm>>) dst(%arg8 : memref<40x128xi32, #tpu.memory_space<vmem>>)
        tpu.yield
      }) : () -> ()
      %dma_start3A = arith.constant 0 : i32
      %dma_start3A_22 = arith.constant 0 : i32
      %dma_start3A_23 = tpu.memref_slice %arg7[%dma_start3A, %dma_start3A_22] : memref<40x128xi32, #tpu.memory_space<vmem>> -> memref<1x128xi32, #tpu.memory_space<vmem>>
      %dma_start3A_24 = tpu.memref_squeeze %dma_start3A_23 : memref<1x128xi32, #tpu.memory_space<vmem>> -> memref<128xi32, #tpu.memory_space<vmem>>
      %dma_start3A_25 = arith.constant 0 : i32
      %dma_start3A_26 = arith.constant 0 : i32
      %dma_start3A_27 = tpu.memref_slice %arg2[%dma_start3A_25, %dma_start3A_26] : memref<20002x128xf32, #tpu.memory_space<hbm>> -> memref<20002x128xf32, #tpu.memory_space<hbm>>
      tpu.enqueue_indirect_dma source(%dma_start3A_27 : memref<20002x128xf32, #tpu.memory_space<hbm>>) target(%arg9 : memref<128x128xf32, #tpu.memory_space<vmem>>) offsets(%dma_start3A_24 : memref<128xi32, #tpu.memory_space<vmem>>) semaphore(%arg12 : memref<!tpu.dma_semaphore, #tpu.memory_space<semaphore_mem>>)
      %dma_start3A_28 = arith.constant 1 : i32
      %dma_start3A_29 = arith.constant 0 : i32
      %dma_start3A_30 = tpu.memref_slice %arg7[%dma_start3A_28, %dma_start3A_29] : memref<40x128xi32, #tpu.memory_space<vmem>> -> memref<1x128xi32, #tpu.memory_space<vmem>>
      %dma_start3A_31 = tpu.memref_squeeze %dma_start3A_30 : memref<1x128xi32, #tpu.memory_space<vmem>> -> memref<128xi32, #tpu.memory_space<vmem>>
      %dma_start3A_32 = arith.constant 0 : i32
      %dma_start3A_33 = arith.constant 0 : i32
      %dma_start3A_34 = tpu.memref_slice %arg2[%dma_start3A_32, %dma_start3A_33] : memref<20002x128xf32, #tpu.memory_space<hbm>> -> memref<20002x128xf32, #tpu.memory_space<hbm>>
      tpu.enqueue_indirect_dma source(%dma_start3A_34 : memref<20002x128xf32, #tpu.memory_space<hbm>>) target(%arg10 : memref<128x128xf32, #tpu.memory_space<vmem>>) offsets(%dma_start3A_31 : memref<128xi32, #tpu.memory_space<vmem>>) semaphore(%arg12 : memref<!tpu.dma_semaphore, #tpu.memory_space<semaphore_mem>>)
      %scan3A_35 = arith.constant 0 : i32
      %scan3A_36 = arith.constant 20 : i32
      %scan3A_37 = arith.addi %scan3A_35, %scan3A_36 : i32
      %scan3A_38 = arith.constant 1 : i32
      scf.for %scan3A_40 = %scan3A_35 to %scan3A_37 step %scan3A_38  : i32 {
        %mul3A_41 = arith.constant 1 : i32
        %mul3A_42 = arith.muli %scan3A_40, %mul3A_41 : i32
        %add3A_43 = arith.constant 0 : i32
        %add3A_44 = arith.addi %add3A_43, %mul3A_42 : i32
        %mul3A_45 = arith.constant 2 : i32
        %mul3A_46 = arith.muli %mul3A_45, %add3A_44 : i32
        %dma_wait3A = arith.constant 0 : i32
        %dma_wait3A_47 = arith.constant 0 : i32
        %dma_wait3A_48 = tpu.memref_slice %arg7[%dma_wait3A, %dma_wait3A_47] : memref<40x128xi32, #tpu.memory_space<vmem>> -> memref<1x128xi32, #tpu.memory_space<vmem>>
        %dma_wait3A_49 = tpu.memref_squeeze %dma_wait3A_48 : memref<1x128xi32, #tpu.memory_space<vmem>> -> memref<128xi32, #tpu.memory_space<vmem>>
        %dma_wait3A_50 = arith.constant 0 : i32
        %dma_wait3A_51 = arith.constant 0 : i32
        %dma_wait3A_52 = tpu.memref_slice %arg2[%dma_wait3A_50, %dma_wait3A_51] : memref<20002x128xf32, #tpu.memory_space<hbm>> -> memref<20002x128xf32, #tpu.memory_space<hbm>>
        tpu.wait_indirect_dma semaphore(%arg12 : memref<!tpu.dma_semaphore, #tpu.memory_space<semaphore_mem>>) src(%dma_wait3A_52 : memref<20002x128xf32, #tpu.memory_space<hbm>>) dst(%arg9 : memref<128x128xf32, #tpu.memory_space<vmem>>)
        %dma_start3A_53 = arith.constant 0 : i32
        %dma_start3A_54 = tpu.memref_slice %arg8[%mul3A_46, %dma_start3A_53] : memref<40x128xi32, #tpu.memory_space<vmem>> -> memref<1x128xi32, #tpu.memory_space<vmem>>
        %dma_start3A_55 = tpu.memref_squeeze %dma_start3A_54 : memref<1x128xi32, #tpu.memory_space<vmem>> -> memref<128xi32, #tpu.memory_space<vmem>>
        %dma_start3A_56 = arith.constant 0 : i32
        %dma_start3A_57 = arith.constant 0 : i32
        %dma_start3A_58 = tpu.memref_slice %arg11[%dma_start3A_56, %dma_start3A_57] : memref<10000x128xf32, #tpu.memory_space<vmem_shared>> -> memref<10000x128xf32, #tpu.memory_space<vmem_shared>>
        tpu.enqueue_indirect_dma source(%arg9 : memref<128x128xf32, #tpu.memory_space<vmem>>) target(%dma_start3A_58 : memref<10000x128xf32, #tpu.memory_space<vmem_shared>>) offsets(%dma_start3A_55 : memref<128xi32, #tpu.memory_space<vmem>>) semaphore(%arg13 : memref<!tpu.dma_semaphore, #tpu.memory_space<semaphore_mem>>) {add = true}
        %dma_wait3A_59 = arith.constant 0 : i32
        %dma_wait3A_60 = arith.constant 0 : i32
        %dma_wait3A_61 = tpu.memref_slice %arg7[%dma_wait3A_59, %dma_wait3A_60] : memref<40x128xi32, #tpu.memory_space<vmem>> -> memref<1x128xi32, #tpu.memory_space<vmem>>
        %dma_wait3A_62 = tpu.memref_squeeze %dma_wait3A_61 : memref<1x128xi32, #tpu.memory_space<vmem>> -> memref<128xi32, #tpu.memory_space<vmem>>
        %dma_wait3A_63 = arith.constant 0 : i32
        %dma_wait3A_64 = arith.constant 0 : i32
        %dma_wait3A_65 = tpu.memref_slice %arg2[%dma_wait3A_63, %dma_wait3A_64] : memref<20002x128xf32, #tpu.memory_space<hbm>> -> memref<20002x128xf32, #tpu.memory_space<hbm>>
        tpu.wait_indirect_dma semaphore(%arg12 : memref<!tpu.dma_semaphore, #tpu.memory_space<semaphore_mem>>) src(%dma_wait3A_65 : memref<20002x128xf32, #tpu.memory_space<hbm>>) dst(%arg10 : memref<128x128xf32, #tpu.memory_space<vmem>>)
        %add3A_66 = arith.constant 1 : i32
        %add3A_67 = arith.addi %mul3A_46, %add3A_66 : i32
        %dma_start3A_68 = arith.constant 0 : i32
        %dma_start3A_69 = tpu.memref_slice %arg8[%add3A_67, %dma_start3A_68] : memref<40x128xi32, #tpu.memory_space<vmem>> -> memref<1x128xi32, #tpu.memory_space<vmem>>
        %dma_start3A_70 = tpu.memref_squeeze %dma_start3A_69 : memref<1x128xi32, #tpu.memory_space<vmem>> -> memref<128xi32, #tpu.memory_space<vmem>>
        %dma_start3A_71 = arith.constant 0 : i32
        %dma_start3A_72 = arith.constant 0 : i32
        %dma_start3A_73 = tpu.memref_slice %arg11[%dma_start3A_71, %dma_start3A_72] : memref<10000x128xf32, #tpu.memory_space<vmem_shared>> -> memref<10000x128xf32, #tpu.memory_space<vmem_shared>>
        tpu.enqueue_indirect_dma source(%arg10 : memref<128x128xf32, #tpu.memory_space<vmem>>) target(%dma_start3A_73 : memref<10000x128xf32, #tpu.memory_space<vmem_shared>>) offsets(%dma_start3A_70 : memref<128xi32, #tpu.memory_space<vmem>>) semaphore(%arg13 : memref<!tpu.dma_semaphore, #tpu.memory_space<semaphore_mem>>) {add = true}
        %dma_wait3A_74 = arith.constant 0 : i32
        %dma_wait3A_75 = arith.constant 0 : i32
        %dma_wait3A_76 = tpu.memref_slice %arg8[%dma_wait3A_74, %dma_wait3A_75] : memref<40x128xi32, #tpu.memory_space<vmem>> -> memref<1x128xi32, #tpu.memory_space<vmem>>
        %dma_wait3A_77 = tpu.memref_squeeze %dma_wait3A_76 : memref<1x128xi32, #tpu.memory_space<vmem>> -> memref<128xi32, #tpu.memory_space<vmem>>
        %dma_wait3A_78 = arith.constant 0 : i32
        %dma_wait3A_79 = arith.constant 0 : i32
        %dma_wait3A_80 = tpu.memref_slice %arg11[%dma_wait3A_78, %dma_wait3A_79] : memref<10000x128xf32, #tpu.memory_space<vmem_shared>> -> memref<10000x128xf32, #tpu.memory_space<vmem_shared>>
        tpu.wait_indirect_dma semaphore(%arg13 : memref<!tpu.dma_semaphore, #tpu.memory_space<semaphore_mem>>) src(%arg9 : memref<128x128xf32, #tpu.memory_space<vmem>>) dst(%dma_wait3A_80 : memref<10000x128xf32, #tpu.memory_space<vmem_shared>>)
        %add3A_81 = arith.constant 2 : i32
        %add3A_82 = arith.addi %mul3A_46, %add3A_81 : i32
        %lt3A = arith.constant 40 : i32
        %lt3A_83 = arith.cmpi slt, %add3A_82, %lt3A : i32
        %convert_element_type3A = arith.extui %lt3A_83 : i1 to i32
        %cond3A = arith.constant 0 : i32
        %cond3A_84 = arith.cmpi ne, %convert_element_type3A, %cond3A : i32
        scf.if %cond3A_84 {
          %add3A_99 = arith.constant 2 : i32
          %add3A_100 = arith.addi %mul3A_46, %add3A_99 : i32
          %dma_start3A_101 = arith.constant 0 : i32
          %dma_start3A_102 = tpu.memref_slice %arg7[%add3A_100, %dma_start3A_101] : memref<40x128xi32, #tpu.memory_space<vmem>> -> memref<1x128xi32, #tpu.memory_space<vmem>>
          %dma_start3A_103 = tpu.memref_squeeze %dma_start3A_102 : memref<1x128xi32, #tpu.memory_space<vmem>> -> memref<128xi32, #tpu.memory_space<vmem>>
          %dma_start3A_104 = arith.constant 0 : i32
          %dma_start3A_105 = arith.constant 0 : i32
          %dma_start3A_106 = tpu.memref_slice %arg2[%dma_start3A_104, %dma_start3A_105] : memref<20002x128xf32, #tpu.memory_space<hbm>> -> memref<20002x128xf32, #tpu.memory_space<hbm>>
          tpu.enqueue_indirect_dma source(%dma_start3A_106 : memref<20002x128xf32, #tpu.memory_space<hbm>>) target(%arg9 : memref<128x128xf32, #tpu.memory_space<vmem>>) offsets(%dma_start3A_103 : memref<128xi32, #tpu.memory_space<vmem>>) semaphore(%arg12 : memref<!tpu.dma_semaphore, #tpu.memory_space<semaphore_mem>>)
        } else {
        }
        %dma_wait3A_85 = arith.constant 0 : i32
        %dma_wait3A_86 = arith.constant 0 : i32
        %dma_wait3A_87 = tpu.memref_slice %arg8[%dma_wait3A_85, %dma_wait3A_86] : memref<40x128xi32, #tpu.memory_space<vmem>> -> memref<1x128xi32, #tpu.memory_space<vmem>>
        %dma_wait3A_88 = tpu.memref_squeeze %dma_wait3A_87 : memref<1x128xi32, #tpu.memory_space<vmem>> -> memref<128xi32, #tpu.memory_space<vmem>>
        %dma_wait3A_89 = arith.constant 0 : i32
        %dma_wait3A_90 = arith.constant 0 : i32
        %dma_wait3A_91 = tpu.memref_slice %arg11[%dma_wait3A_89, %dma_wait3A_90] : memref<10000x128xf32, #tpu.memory_space<vmem_shared>> -> memref<10000x128xf32, #tpu.memory_space<vmem_shared>>
        tpu.wait_indirect_dma semaphore(%arg13 : memref<!tpu.dma_semaphore, #tpu.memory_space<semaphore_mem>>) src(%arg10 : memref<128x128xf32, #tpu.memory_space<vmem>>) dst(%dma_wait3A_91 : memref<10000x128xf32, #tpu.memory_space<vmem_shared>>)
        %add3A_92 = arith.constant 3 : i32
        %add3A_93 = arith.addi %mul3A_46, %add3A_92 : i32
        %lt3A_94 = arith.constant 40 : i32
        %lt3A_95 = arith.cmpi slt, %add3A_93, %lt3A_94 : i32
        %convert_element_type3A_96 = arith.extui %lt3A_95 : i1 to i32
        %cond3A_97 = arith.constant 0 : i32
        %cond3A_98 = arith.cmpi ne, %convert_element_type3A_96, %cond3A_97 : i32
        scf.if %cond3A_98 {
          %add3A_99 = arith.constant 3 : i32
          %add3A_100 = arith.addi %mul3A_46, %add3A_99 : i32
          %dma_start3A_101 = arith.constant 0 : i32
          %dma_start3A_102 = tpu.memref_slice %arg7[%add3A_100, %dma_start3A_101] : memref<40x128xi32, #tpu.memory_space<vmem>> -> memref<1x128xi32, #tpu.memory_space<vmem>>
          %dma_start3A_103 = tpu.memref_squeeze %dma_start3A_102 : memref<1x128xi32, #tpu.memory_space<vmem>> -> memref<128xi32, #tpu.memory_space<vmem>>
          %dma_start3A_104 = arith.constant 0 : i32
          %dma_start3A_105 = arith.constant 0 : i32
          %dma_start3A_106 = tpu.memref_slice %arg2[%dma_start3A_104, %dma_start3A_105] : memref<20002x128xf32, #tpu.memory_space<hbm>> -> memref<20002x128xf32, #tpu.memory_space<hbm>>
          tpu.enqueue_indirect_dma source(%dma_start3A_106 : memref<20002x128xf32, #tpu.memory_space<hbm>>) target(%arg10 : memref<128x128xf32, #tpu.memory_space<vmem>>) offsets(%dma_start3A_103 : memref<128xi32, #tpu.memory_space<vmem>>) semaphore(%arg12 : memref<!tpu.dma_semaphore, #tpu.memory_space<semaphore_mem>>)
        } else {
        }
      }
      %scan3A_39 = arith.constant 20 : i32
    }
    %scan3A_10 = arith.constant 4 : i32
    %barrier3A_11 = arith.constant 0 : index
    tpu.barrier barrier_id(%barrier3A_11)
    %mul3A_12 = arith.constant 625 : i32
    %mul3A_13 = arith.muli %arg1, %mul3A_12 : i32
    "tpu.region"() ({
      %run_scoped3A = tpu.sem_alloc : memref<!tpu.dma_semaphore, #tpu.memory_space<semaphore_mem>>
      %dma_start3A = arith.constant 0 : i32
      %dma_start3A_14 = arith.constant 0 : i32
      %dma_start3A_15 = tpu.memref_slice %arg6[%arg0, %arg1, %dma_start3A, %dma_start3A_14] : memref<2x16x625x128xf32, #tpu.memory_space<hbm>> -> memref<1x1x625x128xf32, #tpu.memory_space<hbm>>
      %dma_start3A_16 = tpu.memref_squeeze %dma_start3A_15 : memref<1x1x625x128xf32, #tpu.memory_space<hbm>> -> memref<625x128xf32, #tpu.memory_space<hbm>>
      %dma_start3A_17 = arith.constant 0 : i32
      %dma_start3A_18 = tpu.memref_slice %arg11[%mul3A_13, %dma_start3A_17] : memref<10000x128xf32, #tpu.memory_space<vmem_shared>> -> memref<625x128xf32, #tpu.memory_space<vmem_shared>>
      tpu.enqueue_dma source(%dma_start3A_18 : memref<625x128xf32, #tpu.memory_space<vmem_shared>>) target(%dma_start3A_16 : memref<625x128xf32, #tpu.memory_space<hbm>>) target_semaphore(%run_scoped3A : memref<!tpu.dma_semaphore, #tpu.memory_space<semaphore_mem>>)
      %dma_wait3A = arith.constant 0 : i32
      %dma_wait3A_19 = arith.constant 0 : i32
      %dma_wait3A_20 = tpu.memref_slice %arg6[%arg0, %arg1, %dma_wait3A, %dma_wait3A_19] : memref<2x16x625x128xf32, #tpu.memory_space<hbm>> -> memref<1x1x625x128xf32, #tpu.memory_space<hbm>>
      %dma_wait3A_21 = tpu.memref_squeeze %dma_wait3A_20 : memref<1x1x625x128xf32, #tpu.memory_space<hbm>> -> memref<625x128xf32, #tpu.memory_space<hbm>>
      %dma_wait3A_22 = arith.constant 0 : i32
      %dma_wait3A_23 = tpu.memref_slice %arg11[%mul3A_13, %dma_wait3A_22] : memref<10000x128xf32, #tpu.memory_space<vmem_shared>> -> memref<625x128xf32, #tpu.memory_space<vmem_shared>>
      tpu.wait_dma2 semaphore(%run_scoped3A : memref<!tpu.dma_semaphore, #tpu.memory_space<semaphore_mem>>) src(%dma_wait3A_23 : memref<625x128xf32, #tpu.memory_space<vmem_shared>>) dst(%dma_wait3A_21 : memref<625x128xf32, #tpu.memory_space<hbm>>)
      tpu.yield
    }) : () -> ()
    return
  }
}

#map = affine_map<(d0, d1) -> (0, 0, 0)>
#map1 = affine_map<(d0, d1) -> (0, 0)>
#map2 = affine_map<(d0, d1) -> (0, 0, 0, 0)>
module attributes {stable_mosaic.version = 14 : i64} {
  func.func @body(%arg0: i32, %arg1: i32, %arg2: memref<32x125x80xi32, #tpu.memory_space<hbm>>, %arg3: memref<625x16xf32, #tpu.memory_space<hbm>>, %arg4: memref<80x16xf32, #tpu.memory_space<hbm>>, %arg5: memref<2x16x625x16xf32, #tpu.memory_space<hbm>>, %arg6: memref<125x80xi32, #tpu.memory_space<vmem>>, %arg7: memref<80x16xf32, #tpu.memory_space<vmem>>, %arg8: memref<625x16xf32, #tpu.memory_space<vmem>>, %arg9: memref<10000x16xf32, #tpu.memory_space<vmem_shared>>, %arg10: memref<!tpu.dma_semaphore, #tpu.memory_space<semaphore_mem>>) attributes {dimension_semantics = [#tpu.dimension_semantics<core_parallel>, #tpu.dimension_semantics<subcore_parallel>], iteration_bounds = array<i64: 2, 16>, scalar_prefetch = 0 : i64, scratch_operands = 5 : i64, tpu.core_type = #tpu.core_type<sc_vector_subcore>, window_params = [{transform_indices = #map}, {transform_indices = #map1}, {transform_indices = #map1}, {transform_indices = #map2}]} {
    %mul3A = arith.constant 16 : i32
    %mul3A_0 = arith.muli %arg0, %mul3A : i32
    %add3A = arith.addi %mul3A_0, %arg1 : i32
    "tpu.region"() ({
      %run_scoped3A = tpu.sem_alloc : memref<!tpu.dma_semaphore, #tpu.memory_space<semaphore_mem>>
      %dma_start3A = arith.constant 0 : i32
      %dma_start3A_10 = arith.constant 0 : i32
      %dma_start3A_11 = tpu.memref_slice %arg2[%add3A, %dma_start3A, %dma_start3A_10] : memref<32x125x80xi32, #tpu.memory_space<hbm>> -> memref<1x125x80xi32, #tpu.memory_space<hbm>>
      %dma_start3A_12 = tpu.memref_squeeze %dma_start3A_11 : memref<1x125x80xi32, #tpu.memory_space<hbm>> -> memref<125x80xi32, #tpu.memory_space<hbm>>
      %dma_start3A_13 = arith.constant 0 : i32
      %dma_start3A_14 = arith.constant 0 : i32
      %dma_start3A_15 = tpu.memref_slice %arg2[%add3A, %dma_start3A_13, %dma_start3A_14] : memref<32x125x80xi32, #tpu.memory_space<hbm>> -> memref<1x125x80xi32, #tpu.memory_space<hbm>>
      %dma_start3A_16 = tpu.memref_squeeze %dma_start3A_15 : memref<1x125x80xi32, #tpu.memory_space<hbm>> -> memref<125x80xi32, #tpu.memory_space<hbm>>
      tpu.enqueue_dma source(%dma_start3A_16 : memref<125x80xi32, #tpu.memory_space<hbm>>) target(%arg6 : memref<125x80xi32, #tpu.memory_space<vmem>>) target_semaphore(%run_scoped3A : memref<!tpu.dma_semaphore, #tpu.memory_space<semaphore_mem>>)
      %dma_wait3A = arith.constant 0 : i32
      %dma_wait3A_17 = arith.constant 0 : i32
      %dma_wait3A_18 = tpu.memref_slice %arg2[%add3A, %dma_wait3A, %dma_wait3A_17] : memref<32x125x80xi32, #tpu.memory_space<hbm>> -> memref<1x125x80xi32, #tpu.memory_space<hbm>>
      %dma_wait3A_19 = tpu.memref_squeeze %dma_wait3A_18 : memref<1x125x80xi32, #tpu.memory_space<hbm>> -> memref<125x80xi32, #tpu.memory_space<hbm>>
      %dma_wait3A_20 = arith.constant 0 : i32
      %dma_wait3A_21 = arith.constant 0 : i32
      %dma_wait3A_22 = tpu.memref_slice %arg2[%add3A, %dma_wait3A_20, %dma_wait3A_21] : memref<32x125x80xi32, #tpu.memory_space<hbm>> -> memref<1x125x80xi32, #tpu.memory_space<hbm>>
      %dma_wait3A_23 = tpu.memref_squeeze %dma_wait3A_22 : memref<1x125x80xi32, #tpu.memory_space<hbm>> -> memref<125x80xi32, #tpu.memory_space<hbm>>
      tpu.wait_dma2 semaphore(%run_scoped3A : memref<!tpu.dma_semaphore, #tpu.memory_space<semaphore_mem>>) src(%dma_wait3A_23 : memref<125x80xi32, #tpu.memory_space<hbm>>) dst(%arg6 : memref<125x80xi32, #tpu.memory_space<vmem>>)
      tpu.yield
    }) : () -> ()
    "tpu.region"() ({
      %run_scoped3A = tpu.sem_alloc : memref<!tpu.dma_semaphore, #tpu.memory_space<semaphore_mem>>
      tpu.enqueue_dma source(%arg4 : memref<80x16xf32, #tpu.memory_space<hbm>>) target(%arg7 : memref<80x16xf32, #tpu.memory_space<vmem>>) target_semaphore(%run_scoped3A : memref<!tpu.dma_semaphore, #tpu.memory_space<semaphore_mem>>)
      tpu.wait_dma2 semaphore(%run_scoped3A : memref<!tpu.dma_semaphore, #tpu.memory_space<semaphore_mem>>) src(%arg4 : memref<80x16xf32, #tpu.memory_space<hbm>>) dst(%arg7 : memref<80x16xf32, #tpu.memory_space<vmem>>)
      tpu.yield
    }) : () -> ()
    "tpu.region"() ({
      %run_scoped3A = tpu.sem_alloc : memref<!tpu.dma_semaphore, #tpu.memory_space<semaphore_mem>>
      tpu.enqueue_dma source(%arg3 : memref<625x16xf32, #tpu.memory_space<hbm>>) target(%arg8 : memref<625x16xf32, #tpu.memory_space<vmem>>) target_semaphore(%run_scoped3A : memref<!tpu.dma_semaphore, #tpu.memory_space<semaphore_mem>>)
      tpu.wait_dma2 semaphore(%run_scoped3A : memref<!tpu.dma_semaphore, #tpu.memory_space<semaphore_mem>>) src(%arg3 : memref<625x16xf32, #tpu.memory_space<hbm>>) dst(%arg8 : memref<625x16xf32, #tpu.memory_space<vmem>>)
      tpu.yield
    }) : () -> ()
    %mul3A_1 = arith.constant 625 : i32
    %mul3A_2 = arith.muli %arg1, %mul3A_1 : i32
    "tpu.region"() ({
      %run_scoped3A = tpu.sem_alloc : memref<!tpu.dma_semaphore, #tpu.memory_space<semaphore_mem>>
      %dma_start3A = arith.constant 0 : i32
      %dma_start3A_10 = tpu.memref_slice %arg9[%mul3A_2, %dma_start3A] : memref<10000x16xf32, #tpu.memory_space<vmem_shared>> -> memref<625x16xf32, #tpu.memory_space<vmem_shared>>
      %dma_start3A_11 = arith.constant 0 : i32
      %dma_start3A_12 = tpu.memref_slice %arg9[%mul3A_2, %dma_start3A_11] : memref<10000x16xf32, #tpu.memory_space<vmem_shared>> -> memref<625x16xf32, #tpu.memory_space<vmem_shared>>
      tpu.enqueue_dma source(%arg8 : memref<625x16xf32, #tpu.memory_space<vmem>>) target(%dma_start3A_12 : memref<625x16xf32, #tpu.memory_space<vmem_shared>>) target_semaphore(%run_scoped3A : memref<!tpu.dma_semaphore, #tpu.memory_space<semaphore_mem>>)
      %dma_wait3A = arith.constant 0 : i32
      %dma_wait3A_13 = tpu.memref_slice %arg9[%mul3A_2, %dma_wait3A] : memref<10000x16xf32, #tpu.memory_space<vmem_shared>> -> memref<625x16xf32, #tpu.memory_space<vmem_shared>>
      %dma_wait3A_14 = arith.constant 0 : i32
      %dma_wait3A_15 = tpu.memref_slice %arg9[%mul3A_2, %dma_wait3A_14] : memref<10000x16xf32, #tpu.memory_space<vmem_shared>> -> memref<625x16xf32, #tpu.memory_space<vmem_shared>>
      tpu.wait_dma2 semaphore(%run_scoped3A : memref<!tpu.dma_semaphore, #tpu.memory_space<semaphore_mem>>) src(%arg8 : memref<625x16xf32, #tpu.memory_space<vmem>>) dst(%dma_wait3A_15 : memref<625x16xf32, #tpu.memory_space<vmem_shared>>)
      tpu.yield
    }) : () -> ()
    %barrier3A = arith.constant 0 : index
    tpu.barrier barrier_id(%barrier3A)
    %scan3A = arith.constant 0 : i32
    %scan3A_3 = arith.constant 125 : i32
    %scan3A_4 = arith.addi %scan3A, %scan3A_3 : i32
    %scan3A_5 = arith.constant 1 : i32
    scf.for %scan3A_10 = %scan3A to %scan3A_4 step %scan3A_5  : i32 {
      %mul3A_11 = arith.constant 1 : i32
      %mul3A_12 = arith.muli %scan3A_10, %mul3A_11 : i32
      %add3A_13 = arith.constant 0 : i32
      %add3A_14 = arith.addi %add3A_13, %mul3A_12 : i32
      "tpu.region"() ({
        %run_scoped3A = tpu.sem_alloc : memref<!tpu.dma_semaphore, #tpu.memory_space<semaphore_mem>>
        %dma_start3A = arith.constant 0 : i32
        %dma_start3A_15 = tpu.memref_slice %arg6[%add3A_14, %dma_start3A] : memref<125x80xi32, #tpu.memory_space<vmem>> -> memref<1x80xi32, #tpu.memory_space<vmem>>
        %dma_start3A_16 = tpu.memref_squeeze %dma_start3A_15 : memref<1x80xi32, #tpu.memory_space<vmem>> -> memref<80xi32, #tpu.memory_space<vmem>>
        %dma_start3A_17 = arith.constant 0 : i32
        %dma_start3A_18 = arith.constant 0 : i32
        %dma_start3A_19 = tpu.memref_slice %arg9[%dma_start3A_17, %dma_start3A_18] : memref<10000x16xf32, #tpu.memory_space<vmem_shared>> -> memref<10000x16xf32, #tpu.memory_space<vmem_shared>>
        tpu.enqueue_indirect_dma source(%arg7 : memref<80x16xf32, #tpu.memory_space<vmem>>) target(%dma_start3A_19 : memref<10000x16xf32, #tpu.memory_space<vmem_shared>>) offsets(%dma_start3A_16 : memref<80xi32, #tpu.memory_space<vmem>>) semaphore(%run_scoped3A : memref<!tpu.dma_semaphore, #tpu.memory_space<semaphore_mem>>) {add = true}
        %dma_wait3A = arith.constant 0 : i32
        %dma_wait3A_20 = tpu.memref_slice %arg6[%add3A_14, %dma_wait3A] : memref<125x80xi32, #tpu.memory_space<vmem>> -> memref<1x80xi32, #tpu.memory_space<vmem>>
        %dma_wait3A_21 = tpu.memref_squeeze %dma_wait3A_20 : memref<1x80xi32, #tpu.memory_space<vmem>> -> memref<80xi32, #tpu.memory_space<vmem>>
        %dma_wait3A_22 = arith.constant 0 : i32
        %dma_wait3A_23 = arith.constant 0 : i32
        %dma_wait3A_24 = tpu.memref_slice %arg9[%dma_wait3A_22, %dma_wait3A_23] : memref<10000x16xf32, #tpu.memory_space<vmem_shared>> -> memref<10000x16xf32, #tpu.memory_space<vmem_shared>>
        tpu.wait_indirect_dma semaphore(%run_scoped3A : memref<!tpu.dma_semaphore, #tpu.memory_space<semaphore_mem>>) src(%arg7 : memref<80x16xf32, #tpu.memory_space<vmem>>) dst(%dma_wait3A_24 : memref<10000x16xf32, #tpu.memory_space<vmem_shared>>)
        tpu.yield
      }) : () -> ()
    }
    %scan3A_6 = arith.constant 125 : i32
    %barrier3A_7 = arith.constant 0 : index
    tpu.barrier barrier_id(%barrier3A_7)
    %mul3A_8 = arith.constant 625 : i32
    %mul3A_9 = arith.muli %arg1, %mul3A_8 : i32
    "tpu.region"() ({
      %run_scoped3A = tpu.sem_alloc : memref<!tpu.dma_semaphore, #tpu.memory_space<semaphore_mem>>
      %dma_start3A = arith.constant 0 : i32
      %dma_start3A_10 = arith.constant 0 : i32
      %dma_start3A_11 = tpu.memref_slice %arg5[%arg0, %arg1, %dma_start3A, %dma_start3A_10] : memref<2x16x625x16xf32, #tpu.memory_space<hbm>> -> memref<1x1x625x16xf32, #tpu.memory_space<hbm>>
      %dma_start3A_12 = tpu.memref_squeeze %dma_start3A_11 : memref<1x1x625x16xf32, #tpu.memory_space<hbm>> -> memref<625x16xf32, #tpu.memory_space<hbm>>
      %dma_start3A_13 = arith.constant 0 : i32
      %dma_start3A_14 = tpu.memref_slice %arg9[%mul3A_9, %dma_start3A_13] : memref<10000x16xf32, #tpu.memory_space<vmem_shared>> -> memref<625x16xf32, #tpu.memory_space<vmem_shared>>
      tpu.enqueue_dma source(%dma_start3A_14 : memref<625x16xf32, #tpu.memory_space<vmem_shared>>) target(%dma_start3A_12 : memref<625x16xf32, #tpu.memory_space<hbm>>) target_semaphore(%run_scoped3A : memref<!tpu.dma_semaphore, #tpu.memory_space<semaphore_mem>>)
      %dma_wait3A = arith.constant 0 : i32
      %dma_wait3A_15 = arith.constant 0 : i32
      %dma_wait3A_16 = tpu.memref_slice %arg5[%arg0, %arg1, %dma_wait3A, %dma_wait3A_15] : memref<2x16x625x16xf32, #tpu.memory_space<hbm>> -> memref<1x1x625x16xf32, #tpu.memory_space<hbm>>
      %dma_wait3A_17 = tpu.memref_squeeze %dma_wait3A_16 : memref<1x1x625x16xf32, #tpu.memory_space<hbm>> -> memref<625x16xf32, #tpu.memory_space<hbm>>
      %dma_wait3A_18 = arith.constant 0 : i32
      %dma_wait3A_19 = tpu.memref_slice %arg9[%mul3A_9, %dma_wait3A_18] : memref<10000x16xf32, #tpu.memory_space<vmem_shared>> -> memref<625x16xf32, #tpu.memory_space<vmem_shared>>
      tpu.wait_dma2 semaphore(%run_scoped3A : memref<!tpu.dma_semaphore, #tpu.memory_space<semaphore_mem>>) src(%dma_wait3A_19 : memref<625x16xf32, #tpu.memory_space<vmem_shared>>) dst(%dma_wait3A_17 : memref<625x16xf32, #tpu.memory_space<hbm>>)
      tpu.yield
    }) : () -> ()
    return
  }
}

#map = affine_map<(d0, d1) -> (0, 0)>
#map1 = affine_map<(d0, d1) -> (0, 0, 0)>
#map2 = affine_map<(d0, d1) -> (0, 0, 0, 0)>
module attributes {stable_mosaic.version = 14 : i64} {
  func.func @body(%arg0: i32, %arg1: i32, %arg2: memref<10001x128xf32, #tpu.memory_space<hbm>>, %arg3: memref<64x40x128xi32, #tpu.memory_space<hbm>>, %arg4: memref<64x40x128xi32, #tpu.memory_space<hbm>>, %arg5: memref<128x128xf32, #tpu.memory_space<hbm>>, %arg6: memref<2x16x625x128xf32, #tpu.memory_space<hbm>>, %arg7: memref<40x128xi32, #tpu.memory_space<vmem>>, %arg8: memref<40x128xi32, #tpu.memory_space<vmem>>, %arg9: memref<128x128xf32, #tpu.memory_space<vmem>>, %arg10: memref<128x128xf32, #tpu.memory_space<vmem>>, %arg11: memref<10000x128xf32, #tpu.memory_space<vmem_shared>>, %arg12: memref<!tpu.dma_semaphore, #tpu.memory_space<semaphore_mem>>, %arg13: memref<!tpu.dma_semaphore, #tpu.memory_space<semaphore_mem>>) attributes {dimension_semantics = [#tpu.dimension_semantics<core_parallel>, #tpu.dimension_semantics<subcore_parallel>], iteration_bounds = array<i64: 2, 16>, scalar_prefetch = 0 : i64, scratch_operands = 7 : i64, tpu.core_type = #tpu.core_type<sc_vector_subcore>, window_params = [{transform_indices = #map}, {transform_indices = #map1}, {transform_indices = #map1}, {transform_indices = #map}, {transform_indices = #map2}]} {
    "tpu.region"() ({
      %run_scoped3A = tpu.sem_alloc : memref<!tpu.dma_semaphore, #tpu.memory_space<semaphore_mem>>
      tpu.enqueue_dma source(%arg5 : memref<128x128xf32, #tpu.memory_space<hbm>>) target(%arg9 : memref<128x128xf32, #tpu.memory_space<vmem>>) target_semaphore(%run_scoped3A : memref<!tpu.dma_semaphore, #tpu.memory_space<semaphore_mem>>)
      tpu.wait_dma2 semaphore(%run_scoped3A : memref<!tpu.dma_semaphore, #tpu.memory_space<semaphore_mem>>) src(%arg5 : memref<128x128xf32, #tpu.memory_space<hbm>>) dst(%arg9 : memref<128x128xf32, #tpu.memory_space<vmem>>)
      tpu.yield
    }) : () -> ()
    %scan3A = arith.constant 0 : i32
    %scan3A_0 = arith.constant 4 : i32
    %scan3A_1 = arith.addi %scan3A, %scan3A_0 : i32
    %scan3A_2 = arith.constant 1 : i32
    scf.for %scan3A_14 = %scan3A to %scan3A_1 step %scan3A_2  : i32 {
      %mul3A_15 = arith.constant 1 : i32
      %mul3A_16 = arith.muli %scan3A_14, %mul3A_15 : i32
      %add3A_17 = arith.constant 0 : i32
      %add3A_18 = arith.addi %add3A_17, %mul3A_16 : i32
      %mul3A_19 = arith.constant 625 : i32
      %mul3A_20 = arith.muli %arg1, %mul3A_19 : i32
      %mul3A_21 = arith.constant 128 : i32
      %mul3A_22 = arith.muli %add3A_18, %mul3A_21 : i32
      %add3A_23 = arith.addi %mul3A_20, %mul3A_22 : i32
      "tpu.region"() ({
        %run_scoped3A = tpu.sem_alloc : memref<!tpu.dma_semaphore, #tpu.memory_space<semaphore_mem>>
        %dma_start3A = arith.constant 0 : i32
        %dma_start3A_24 = tpu.memref_slice %arg11[%add3A_23, %dma_start3A] : memref<10000x128xf32, #tpu.memory_space<vmem_shared>> -> memref<128x128xf32, #tpu.memory_space<vmem_shared>>
        %dma_start3A_25 = arith.constant 0 : i32
        %dma_start3A_26 = tpu.memref_slice %arg11[%add3A_23, %dma_start3A_25] : memref<10000x128xf32, #tpu.memory_space<vmem_shared>> -> memref<128x128xf32, #tpu.memory_space<vmem_shared>>
        tpu.enqueue_dma source(%arg9 : memref<128x128xf32, #tpu.memory_space<vmem>>) target(%dma_start3A_26 : memref<128x128xf32, #tpu.memory_space<vmem_shared>>) target_semaphore(%run_scoped3A : memref<!tpu.dma_semaphore, #tpu.memory_space<semaphore_mem>>)
        %dma_wait3A = arith.constant 0 : i32
        %dma_wait3A_27 = tpu.memref_slice %arg11[%add3A_23, %dma_wait3A] : memref<10000x128xf32, #tpu.memory_space<vmem_shared>> -> memref<128x128xf32, #tpu.memory_space<vmem_shared>>
        %dma_wait3A_28 = arith.constant 0 : i32
        %dma_wait3A_29 = tpu.memref_slice %arg11[%add3A_23, %dma_wait3A_28] : memref<10000x128xf32, #tpu.memory_space<vmem_shared>> -> memref<128x128xf32, #tpu.memory_space<vmem_shared>>
        tpu.wait_dma2 semaphore(%run_scoped3A : memref<!tpu.dma_semaphore, #tpu.memory_space<semaphore_mem>>) src(%arg9 : memref<128x128xf32, #tpu.memory_space<vmem>>) dst(%dma_wait3A_29 : memref<128x128xf32, #tpu.memory_space<vmem_shared>>)
        tpu.yield
      }) : () -> ()
    }
    %scan3A_3 = arith.constant 4 : i32
    %mul3A = arith.constant 625 : i32
    %mul3A_4 = arith.muli %arg1, %mul3A : i32
    %add3A = arith.constant 512 : i32
    %add3A_5 = arith.addi %mul3A_4, %add3A : i32
    "tpu.region"() ({
      %run_scoped3A = tpu.sem_alloc : memref<!tpu.dma_semaphore, #tpu.memory_space<semaphore_mem>>
      %dma_start3A = arith.constant 0 : i32
      %dma_start3A_14 = arith.constant 0 : i32
      %dma_start3A_15 = tpu.memref_slice %arg9[%dma_start3A, %dma_start3A_14] : memref<128x128xf32, #tpu.memory_space<vmem>> -> memref<113x128xf32, #tpu.memory_space<vmem>>
      %dma_start3A_16 = arith.constant 0 : i32
      %dma_start3A_17 = tpu.memref_slice %arg11[%add3A_5, %dma_start3A_16] : memref<10000x128xf32, #tpu.memory_space<vmem_shared>> -> memref<113x128xf32, #tpu.memory_space<vmem_shared>>
      %dma_start3A_18 = arith.constant 0 : i32
      %dma_start3A_19 = tpu.memref_slice %arg11[%add3A_5, %dma_start3A_18] : memref<10000x128xf32, #tpu.memory_space<vmem_shared>> -> memref<113x128xf32, #tpu.memory_space<vmem_shared>>
      %dma_start3A_20 = arith.constant 0 : i32
      %dma_start3A_21 = arith.constant 0 : i32
      %dma_start3A_22 = tpu.memref_slice %arg9[%dma_start3A_20, %dma_start3A_21] : memref<128x128xf32, #tpu.memory_space<vmem>> -> memref<113x128xf32, #tpu.memory_space<vmem>>
      tpu.enqueue_dma source(%dma_start3A_22 : memref<113x128xf32, #tpu.memory_space<vmem>>) target(%dma_start3A_19 : memref<113x128xf32, #tpu.memory_space<vmem_shared>>) target_semaphore(%run_scoped3A : memref<!tpu.dma_semaphore, #tpu.memory_space<semaphore_mem>>)
      %dma_wait3A = arith.constant 0 : i32
      %dma_wait3A_23 = arith.constant 0 : i32
      %dma_wait3A_24 = tpu.memref_slice %arg9[%dma_wait3A, %dma_wait3A_23] : memref<128x128xf32, #tpu.memory_space<vmem>> -> memref<113x128xf32, #tpu.memory_space<vmem>>
      %dma_wait3A_25 = arith.constant 0 : i32
      %dma_wait3A_26 = tpu.memref_slice %arg11[%add3A_5, %dma_wait3A_25] : memref<10000x128xf32, #tpu.memory_space<vmem_shared>> -> memref<113x128xf32, #tpu.memory_space<vmem_shared>>
      %dma_wait3A_27 = arith.constant 0 : i32
      %dma_wait3A_28 = tpu.memref_slice %arg11[%add3A_5, %dma_wait3A_27] : memref<10000x128xf32, #tpu.memory_space<vmem_shared>> -> memref<113x128xf32, #tpu.memory_space<vmem_shared>>
      %dma_wait3A_29 = arith.constant 0 : i32
      %dma_wait3A_30 = arith.constant 0 : i32
      %dma_wait3A_31 = tpu.memref_slice %arg9[%dma_wait3A_29, %dma_wait3A_30] : memref<128x128xf32, #tpu.memory_space<vmem>> -> memref<113x128xf32, #tpu.memory_space<vmem>>
      tpu.wait_dma2 semaphore(%run_scoped3A : memref<!tpu.dma_semaphore, #tpu.memory_space<semaphore_mem>>) src(%dma_wait3A_31 : memref<113x128xf32, #tpu.memory_space<vmem>>) dst(%dma_wait3A_28 : memref<113x128xf32, #tpu.memory_space<vmem_shared>>)
      tpu.yield
    }) : () -> ()
    %barrier3A = arith.constant 0 : index
    tpu.barrier barrier_id(%barrier3A)
    %scan3A_6 = arith.constant 0 : i32
    %scan3A_7 = arith.constant 2 : i32
    %scan3A_8 = arith.addi %scan3A_6, %scan3A_7 : i32
    %scan3A_9 = arith.constant 1 : i32
    scf.for %scan3A_14 = %scan3A_6 to %scan3A_8 step %scan3A_9  : i32 {
      %mul3A_15 = arith.constant 1 : i32
      %mul3A_16 = arith.muli %scan3A_14, %mul3A_15 : i32
      %add3A_17 = arith.constant 0 : i32
      %add3A_18 = arith.addi %add3A_17, %mul3A_16 : i32
      %mul3A_19 = arith.constant 16 : i32
      %mul3A_20 = arith.muli %arg0, %mul3A_19 : i32
      %add3A_21 = arith.addi %mul3A_20, %arg1 : i32
      %mul3A_22 = arith.constant 2 : i32
      %mul3A_23 = arith.muli %add3A_21, %mul3A_22 : i32
      %add3A_24 = arith.addi %mul3A_23, %add3A_18 : i32
      "tpu.region"() ({
        %run_scoped3A = tpu.sem_alloc : memref<!tpu.dma_semaphore, #tpu.memory_space<semaphore_mem>>
        %dma_start3A_43 = arith.constant 0 : i32
        %dma_start3A_44 = arith.constant 0 : i32
        %dma_start3A_45 = tpu.memref_slice %arg3[%add3A_24, %dma_start3A_43, %dma_start3A_44] : memref<64x40x128xi32, #tpu.memory_space<hbm>> -> memref<1x40x128xi32, #tpu.memory_space<hbm>>
        %dma_start3A_46 = tpu.memref_squeeze %dma_start3A_45 : memref<1x40x128xi32, #tpu.memory_space<hbm>> -> memref<40x128xi32, #tpu.memory_space<hbm>>
        %dma_start3A_47 = arith.constant 0 : i32
        %dma_start3A_48 = arith.constant 0 : i32
        %dma_start3A_49 = tpu.memref_slice %arg3[%add3A_24, %dma_start3A_47, %dma_start3A_48] : memref<64x40x128xi32, #tpu.memory_space<hbm>> -> memref<1x40x128xi32, #tpu.memory_space<hbm>>
        %dma_start3A_50 = tpu.memref_squeeze %dma_start3A_49 : memref<1x40x128xi32, #tpu.memory_space<hbm>> -> memref<40x128xi32, #tpu.memory_space<hbm>>
        tpu.enqueue_dma source(%dma_start3A_50 : memref<40x128xi32, #tpu.memory_space<hbm>>) target(%arg7 : memref<40x128xi32, #tpu.memory_space<vmem>>) target_semaphore(%run_scoped3A : memref<!tpu.dma_semaphore, #tpu.memory_space<semaphore_mem>>)
        %dma_wait3A = arith.constant 0 : i32
        %dma_wait3A_51 = arith.constant 0 : i32
        %dma_wait3A_52 = tpu.memref_slice %arg3[%add3A_24, %dma_wait3A, %dma_wait3A_51] : memref<64x40x128xi32, #tpu.memory_space<hbm>> -> memref<1x40x128xi32, #tpu.memory_space<hbm>>
        %dma_wait3A_53 = tpu.memref_squeeze %dma_wait3A_52 : memref<1x40x128xi32, #tpu.memory_space<hbm>> -> memref<40x128xi32, #tpu.memory_space<hbm>>
        %dma_wait3A_54 = arith.constant 0 : i32
        %dma_wait3A_55 = arith.constant 0 : i32
        %dma_wait3A_56 = tpu.memref_slice %arg3[%add3A_24, %dma_wait3A_54, %dma_wait3A_55] : memref<64x40x128xi32, #tpu.memory_space<hbm>> -> memref<1x40x128xi32, #tpu.memory_space<hbm>>
        %dma_wait3A_57 = tpu.memref_squeeze %dma_wait3A_56 : memref<1x40x128xi32, #tpu.memory_space<hbm>> -> memref<40x128xi32, #tpu.memory_space<hbm>>
        tpu.wait_dma2 semaphore(%run_scoped3A : memref<!tpu.dma_semaphore, #tpu.memory_space<semaphore_mem>>) src(%dma_wait3A_57 : memref<40x128xi32, #tpu.memory_space<hbm>>) dst(%arg7 : memref<40x128xi32, #tpu.memory_space<vmem>>)
        tpu.yield
      }) : () -> ()
      "tpu.region"() ({
        %run_scoped3A = tpu.sem_alloc : memref<!tpu.dma_semaphore, #tpu.memory_space<semaphore_mem>>
        %dma_start3A_43 = arith.constant 0 : i32
        %dma_start3A_44 = arith.constant 0 : i32
        %dma_start3A_45 = tpu.memref_slice %arg4[%add3A_24, %dma_start3A_43, %dma_start3A_44] : memref<64x40x128xi32, #tpu.memory_space<hbm>> -> memref<1x40x128xi32, #tpu.memory_space<hbm>>
        %dma_start3A_46 = tpu.memref_squeeze %dma_start3A_45 : memref<1x40x128xi32, #tpu.memory_space<hbm>> -> memref<40x128xi32, #tpu.memory_space<hbm>>
        %dma_start3A_47 = arith.constant 0 : i32
        %dma_start3A_48 = arith.constant 0 : i32
        %dma_start3A_49 = tpu.memref_slice %arg4[%add3A_24, %dma_start3A_47, %dma_start3A_48] : memref<64x40x128xi32, #tpu.memory_space<hbm>> -> memref<1x40x128xi32, #tpu.memory_space<hbm>>
        %dma_start3A_50 = tpu.memref_squeeze %dma_start3A_49 : memref<1x40x128xi32, #tpu.memory_space<hbm>> -> memref<40x128xi32, #tpu.memory_space<hbm>>
        tpu.enqueue_dma source(%dma_start3A_50 : memref<40x128xi32, #tpu.memory_space<hbm>>) target(%arg8 : memref<40x128xi32, #tpu.memory_space<vmem>>) target_semaphore(%run_scoped3A : memref<!tpu.dma_semaphore, #tpu.memory_space<semaphore_mem>>)
        %dma_wait3A = arith.constant 0 : i32
        %dma_wait3A_51 = arith.constant 0 : i32
        %dma_wait3A_52 = tpu.memref_slice %arg4[%add3A_24, %dma_wait3A, %dma_wait3A_51] : memref<64x40x128xi32, #tpu.memory_space<hbm>> -> memref<1x40x128xi32, #tpu.memory_space<hbm>>
        %dma_wait3A_53 = tpu.memref_squeeze %dma_wait3A_52 : memref<1x40x128xi32, #tpu.memory_space<hbm>> -> memref<40x128xi32, #tpu.memory_space<hbm>>
        %dma_wait3A_54 = arith.constant 0 : i32
        %dma_wait3A_55 = arith.constant 0 : i32
        %dma_wait3A_56 = tpu.memref_slice %arg4[%add3A_24, %dma_wait3A_54, %dma_wait3A_55] : memref<64x40x128xi32, #tpu.memory_space<hbm>> -> memref<1x40x128xi32, #tpu.memory_space<hbm>>
        %dma_wait3A_57 = tpu.memref_squeeze %dma_wait3A_56 : memref<1x40x128xi32, #tpu.memory_space<hbm>> -> memref<40x128xi32, #tpu.memory_space<hbm>>
        tpu.wait_dma2 semaphore(%run_scoped3A : memref<!tpu.dma_semaphore, #tpu.memory_space<semaphore_mem>>) src(%dma_wait3A_57 : memref<40x128xi32, #tpu.memory_space<hbm>>) dst(%arg8 : memref<40x128xi32, #tpu.memory_space<vmem>>)
        tpu.yield
      }) : () -> ()
      %dma_start3A = arith.constant 0 : i32
      %dma_start3A_25 = arith.constant 0 : i32
      %dma_start3A_26 = tpu.memref_slice %arg7[%dma_start3A, %dma_start3A_25] : memref<40x128xi32, #tpu.memory_space<vmem>> -> memref<1x128xi32, #tpu.memory_space<vmem>>
      %dma_start3A_27 = tpu.memref_squeeze %dma_start3A_26 : memref<1x128xi32, #tpu.memory_space<vmem>> -> memref<128xi32, #tpu.memory_space<vmem>>
      %dma_start3A_28 = arith.constant 0 : i32
      %dma_start3A_29 = arith.constant 0 : i32
      %dma_start3A_30 = tpu.memref_slice %arg2[%dma_start3A_28, %dma_start3A_29] : memref<10001x128xf32, #tpu.memory_space<hbm>> -> memref<10001x128xf32, #tpu.memory_space<hbm>>
      tpu.enqueue_indirect_dma source(%dma_start3A_30 : memref<10001x128xf32, #tpu.memory_space<hbm>>) target(%arg9 : memref<128x128xf32, #tpu.memory_space<vmem>>) offsets(%dma_start3A_27 : memref<128xi32, #tpu.memory_space<vmem>>) semaphore(%arg12 : memref<!tpu.dma_semaphore, #tpu.memory_space<semaphore_mem>>)
      %dma_start3A_31 = arith.constant 1 : i32
      %dma_start3A_32 = arith.constant 0 : i32
      %dma_start3A_33 = tpu.memref_slice %arg7[%dma_start3A_31, %dma_start3A_32] : memref<40x128xi32, #tpu.memory_space<vmem>> -> memref<1x128xi32, #tpu.memory_space<vmem>>
      %dma_start3A_34 = tpu.memref_squeeze %dma_start3A_33 : memref<1x128xi32, #tpu.memory_space<vmem>> -> memref<128xi32, #tpu.memory_space<vmem>>
      %dma_start3A_35 = arith.constant 0 : i32
      %dma_start3A_36 = arith.constant 0 : i32
      %dma_start3A_37 = tpu.memref_slice %arg2[%dma_start3A_35, %dma_start3A_36] : memref<10001x128xf32, #tpu.memory_space<hbm>> -> memref<10001x128xf32, #tpu.memory_space<hbm>>
      tpu.enqueue_indirect_dma source(%dma_start3A_37 : memref<10001x128xf32, #tpu.memory_space<hbm>>) target(%arg10 : memref<128x128xf32, #tpu.memory_space<vmem>>) offsets(%dma_start3A_34 : memref<128xi32, #tpu.memory_space<vmem>>) semaphore(%arg12 : memref<!tpu.dma_semaphore, #tpu.memory_space<semaphore_mem>>)
      %scan3A_38 = arith.constant 0 : i32
      %scan3A_39 = arith.constant 20 : i32
      %scan3A_40 = arith.addi %scan3A_38, %scan3A_39 : i32
      %scan3A_41 = arith.constant 1 : i32
      scf.for %scan3A_43 = %scan3A_38 to %scan3A_40 step %scan3A_41  : i32 {
        %mul3A_44 = arith.constant 1 : i32
        %mul3A_45 = arith.muli %scan3A_43, %mul3A_44 : i32
        %add3A_46 = arith.constant 0 : i32
        %add3A_47 = arith.addi %add3A_46, %mul3A_45 : i32
        %mul3A_48 = arith.constant 2 : i32
        %mul3A_49 = arith.muli %mul3A_48, %add3A_47 : i32
        %dma_wait3A = arith.constant 0 : i32
        %dma_wait3A_50 = arith.constant 0 : i32
        %dma_wait3A_51 = tpu.memref_slice %arg7[%dma_wait3A, %dma_wait3A_50] : memref<40x128xi32, #tpu.memory_space<vmem>> -> memref<1x128xi32, #tpu.memory_space<vmem>>
        %dma_wait3A_52 = tpu.memref_squeeze %dma_wait3A_51 : memref<1x128xi32, #tpu.memory_space<vmem>> -> memref<128xi32, #tpu.memory_space<vmem>>
        %dma_wait3A_53 = arith.constant 0 : i32
        %dma_wait3A_54 = arith.constant 0 : i32
        %dma_wait3A_55 = tpu.memref_slice %arg2[%dma_wait3A_53, %dma_wait3A_54] : memref<10001x128xf32, #tpu.memory_space<hbm>> -> memref<10001x128xf32, #tpu.memory_space<hbm>>
        tpu.wait_indirect_dma semaphore(%arg12 : memref<!tpu.dma_semaphore, #tpu.memory_space<semaphore_mem>>) src(%dma_wait3A_55 : memref<10001x128xf32, #tpu.memory_space<hbm>>) dst(%arg9 : memref<128x128xf32, #tpu.memory_space<vmem>>)
        %dma_start3A_56 = arith.constant 0 : i32
        %dma_start3A_57 = tpu.memref_slice %arg8[%mul3A_49, %dma_start3A_56] : memref<40x128xi32, #tpu.memory_space<vmem>> -> memref<1x128xi32, #tpu.memory_space<vmem>>
        %dma_start3A_58 = tpu.memref_squeeze %dma_start3A_57 : memref<1x128xi32, #tpu.memory_space<vmem>> -> memref<128xi32, #tpu.memory_space<vmem>>
        %dma_start3A_59 = arith.constant 0 : i32
        %dma_start3A_60 = arith.constant 0 : i32
        %dma_start3A_61 = tpu.memref_slice %arg11[%dma_start3A_59, %dma_start3A_60] : memref<10000x128xf32, #tpu.memory_space<vmem_shared>> -> memref<10000x128xf32, #tpu.memory_space<vmem_shared>>
        tpu.enqueue_indirect_dma source(%arg9 : memref<128x128xf32, #tpu.memory_space<vmem>>) target(%dma_start3A_61 : memref<10000x128xf32, #tpu.memory_space<vmem_shared>>) offsets(%dma_start3A_58 : memref<128xi32, #tpu.memory_space<vmem>>) semaphore(%arg13 : memref<!tpu.dma_semaphore, #tpu.memory_space<semaphore_mem>>) {add = true}
        %dma_wait3A_62 = arith.constant 0 : i32
        %dma_wait3A_63 = arith.constant 0 : i32
        %dma_wait3A_64 = tpu.memref_slice %arg7[%dma_wait3A_62, %dma_wait3A_63] : memref<40x128xi32, #tpu.memory_space<vmem>> -> memref<1x128xi32, #tpu.memory_space<vmem>>
        %dma_wait3A_65 = tpu.memref_squeeze %dma_wait3A_64 : memref<1x128xi32, #tpu.memory_space<vmem>> -> memref<128xi32, #tpu.memory_space<vmem>>
        %dma_wait3A_66 = arith.constant 0 : i32
        %dma_wait3A_67 = arith.constant 0 : i32
        %dma_wait3A_68 = tpu.memref_slice %arg2[%dma_wait3A_66, %dma_wait3A_67] : memref<10001x128xf32, #tpu.memory_space<hbm>> -> memref<10001x128xf32, #tpu.memory_space<hbm>>
        tpu.wait_indirect_dma semaphore(%arg12 : memref<!tpu.dma_semaphore, #tpu.memory_space<semaphore_mem>>) src(%dma_wait3A_68 : memref<10001x128xf32, #tpu.memory_space<hbm>>) dst(%arg10 : memref<128x128xf32, #tpu.memory_space<vmem>>)
        %add3A_69 = arith.constant 1 : i32
        %add3A_70 = arith.addi %mul3A_49, %add3A_69 : i32
        %dma_start3A_71 = arith.constant 0 : i32
        %dma_start3A_72 = tpu.memref_slice %arg8[%add3A_70, %dma_start3A_71] : memref<40x128xi32, #tpu.memory_space<vmem>> -> memref<1x128xi32, #tpu.memory_space<vmem>>
        %dma_start3A_73 = tpu.memref_squeeze %dma_start3A_72 : memref<1x128xi32, #tpu.memory_space<vmem>> -> memref<128xi32, #tpu.memory_space<vmem>>
        %dma_start3A_74 = arith.constant 0 : i32
        %dma_start3A_75 = arith.constant 0 : i32
        %dma_start3A_76 = tpu.memref_slice %arg11[%dma_start3A_74, %dma_start3A_75] : memref<10000x128xf32, #tpu.memory_space<vmem_shared>> -> memref<10000x128xf32, #tpu.memory_space<vmem_shared>>
        tpu.enqueue_indirect_dma source(%arg10 : memref<128x128xf32, #tpu.memory_space<vmem>>) target(%dma_start3A_76 : memref<10000x128xf32, #tpu.memory_space<vmem_shared>>) offsets(%dma_start3A_73 : memref<128xi32, #tpu.memory_space<vmem>>) semaphore(%arg13 : memref<!tpu.dma_semaphore, #tpu.memory_space<semaphore_mem>>) {add = true}
        %dma_wait3A_77 = arith.constant 0 : i32
        %dma_wait3A_78 = arith.constant 0 : i32
        %dma_wait3A_79 = tpu.memref_slice %arg8[%dma_wait3A_77, %dma_wait3A_78] : memref<40x128xi32, #tpu.memory_space<vmem>> -> memref<1x128xi32, #tpu.memory_space<vmem>>
        %dma_wait3A_80 = tpu.memref_squeeze %dma_wait3A_79 : memref<1x128xi32, #tpu.memory_space<vmem>> -> memref<128xi32, #tpu.memory_space<vmem>>
        %dma_wait3A_81 = arith.constant 0 : i32
        %dma_wait3A_82 = arith.constant 0 : i32
        %dma_wait3A_83 = tpu.memref_slice %arg11[%dma_wait3A_81, %dma_wait3A_82] : memref<10000x128xf32, #tpu.memory_space<vmem_shared>> -> memref<10000x128xf32, #tpu.memory_space<vmem_shared>>
        tpu.wait_indirect_dma semaphore(%arg13 : memref<!tpu.dma_semaphore, #tpu.memory_space<semaphore_mem>>) src(%arg9 : memref<128x128xf32, #tpu.memory_space<vmem>>) dst(%dma_wait3A_83 : memref<10000x128xf32, #tpu.memory_space<vmem_shared>>)
        %add3A_84 = arith.constant 2 : i32
        %add3A_85 = arith.addi %mul3A_49, %add3A_84 : i32
        %lt3A = arith.constant 40 : i32
        %lt3A_86 = arith.cmpi slt, %add3A_85, %lt3A : i32
        %convert_element_type3A = arith.extui %lt3A_86 : i1 to i32
        %cond3A = arith.constant 0 : i32
        %cond3A_87 = arith.cmpi ne, %convert_element_type3A, %cond3A : i32
        scf.if %cond3A_87 {
          %add3A_102 = arith.constant 2 : i32
          %add3A_103 = arith.addi %mul3A_49, %add3A_102 : i32
          %dma_start3A_104 = arith.constant 0 : i32
          %dma_start3A_105 = tpu.memref_slice %arg7[%add3A_103, %dma_start3A_104] : memref<40x128xi32, #tpu.memory_space<vmem>> -> memref<1x128xi32, #tpu.memory_space<vmem>>
          %dma_start3A_106 = tpu.memref_squeeze %dma_start3A_105 : memref<1x128xi32, #tpu.memory_space<vmem>> -> memref<128xi32, #tpu.memory_space<vmem>>
          %dma_start3A_107 = arith.constant 0 : i32
          %dma_start3A_108 = arith.constant 0 : i32
          %dma_start3A_109 = tpu.memref_slice %arg2[%dma_start3A_107, %dma_start3A_108] : memref<10001x128xf32, #tpu.memory_space<hbm>> -> memref<10001x128xf32, #tpu.memory_space<hbm>>
          tpu.enqueue_indirect_dma source(%dma_start3A_109 : memref<10001x128xf32, #tpu.memory_space<hbm>>) target(%arg9 : memref<128x128xf32, #tpu.memory_space<vmem>>) offsets(%dma_start3A_106 : memref<128xi32, #tpu.memory_space<vmem>>) semaphore(%arg12 : memref<!tpu.dma_semaphore, #tpu.memory_space<semaphore_mem>>)
        } else {
        }
        %dma_wait3A_88 = arith.constant 0 : i32
        %dma_wait3A_89 = arith.constant 0 : i32
        %dma_wait3A_90 = tpu.memref_slice %arg8[%dma_wait3A_88, %dma_wait3A_89] : memref<40x128xi32, #tpu.memory_space<vmem>> -> memref<1x128xi32, #tpu.memory_space<vmem>>
        %dma_wait3A_91 = tpu.memref_squeeze %dma_wait3A_90 : memref<1x128xi32, #tpu.memory_space<vmem>> -> memref<128xi32, #tpu.memory_space<vmem>>
        %dma_wait3A_92 = arith.constant 0 : i32
        %dma_wait3A_93 = arith.constant 0 : i32
        %dma_wait3A_94 = tpu.memref_slice %arg11[%dma_wait3A_92, %dma_wait3A_93] : memref<10000x128xf32, #tpu.memory_space<vmem_shared>> -> memref<10000x128xf32, #tpu.memory_space<vmem_shared>>
        tpu.wait_indirect_dma semaphore(%arg13 : memref<!tpu.dma_semaphore, #tpu.memory_space<semaphore_mem>>) src(%arg10 : memref<128x128xf32, #tpu.memory_space<vmem>>) dst(%dma_wait3A_94 : memref<10000x128xf32, #tpu.memory_space<vmem_shared>>)
        %add3A_95 = arith.constant 3 : i32
        %add3A_96 = arith.addi %mul3A_49, %add3A_95 : i32
        %lt3A_97 = arith.constant 40 : i32
        %lt3A_98 = arith.cmpi slt, %add3A_96, %lt3A_97 : i32
        %convert_element_type3A_99 = arith.extui %lt3A_98 : i1 to i32
        %cond3A_100 = arith.constant 0 : i32
        %cond3A_101 = arith.cmpi ne, %convert_element_type3A_99, %cond3A_100 : i32
        scf.if %cond3A_101 {
          %add3A_102 = arith.constant 3 : i32
          %add3A_103 = arith.addi %mul3A_49, %add3A_102 : i32
          %dma_start3A_104 = arith.constant 0 : i32
          %dma_start3A_105 = tpu.memref_slice %arg7[%add3A_103, %dma_start3A_104] : memref<40x128xi32, #tpu.memory_space<vmem>> -> memref<1x128xi32, #tpu.memory_space<vmem>>
          %dma_start3A_106 = tpu.memref_squeeze %dma_start3A_105 : memref<1x128xi32, #tpu.memory_space<vmem>> -> memref<128xi32, #tpu.memory_space<vmem>>
          %dma_start3A_107 = arith.constant 0 : i32
          %dma_start3A_108 = arith.constant 0 : i32
          %dma_start3A_109 = tpu.memref_slice %arg2[%dma_start3A_107, %dma_start3A_108] : memref<10001x128xf32, #tpu.memory_space<hbm>> -> memref<10001x128xf32, #tpu.memory_space<hbm>>
          tpu.enqueue_indirect_dma source(%dma_start3A_109 : memref<10001x128xf32, #tpu.memory_space<hbm>>) target(%arg10 : memref<128x128xf32, #tpu.memory_space<vmem>>) offsets(%dma_start3A_106 : memref<128xi32, #tpu.memory_space<vmem>>) semaphore(%arg12 : memref<!tpu.dma_semaphore, #tpu.memory_space<semaphore_mem>>)
        } else {
        }
      }
      %scan3A_42 = arith.constant 20 : i32
    }
    %scan3A_10 = arith.constant 2 : i32
    %barrier3A_11 = arith.constant 0 : index
    tpu.barrier barrier_id(%barrier3A_11)
    %mul3A_12 = arith.constant 625 : i32
    %mul3A_13 = arith.muli %arg1, %mul3A_12 : i32
    "tpu.region"() ({
      %run_scoped3A = tpu.sem_alloc : memref<!tpu.dma_semaphore, #tpu.memory_space<semaphore_mem>>
      %dma_start3A = arith.constant 0 : i32
      %dma_start3A_14 = arith.constant 0 : i32
      %dma_start3A_15 = tpu.memref_slice %arg6[%arg0, %arg1, %dma_start3A, %dma_start3A_14] : memref<2x16x625x128xf32, #tpu.memory_space<hbm>> -> memref<1x1x625x128xf32, #tpu.memory_space<hbm>>
      %dma_start3A_16 = tpu.memref_squeeze %dma_start3A_15 : memref<1x1x625x128xf32, #tpu.memory_space<hbm>> -> memref<625x128xf32, #tpu.memory_space<hbm>>
      %dma_start3A_17 = arith.constant 0 : i32
      %dma_start3A_18 = tpu.memref_slice %arg11[%mul3A_13, %dma_start3A_17] : memref<10000x128xf32, #tpu.memory_space<vmem_shared>> -> memref<625x128xf32, #tpu.memory_space<vmem_shared>>
      tpu.enqueue_dma source(%dma_start3A_18 : memref<625x128xf32, #tpu.memory_space<vmem_shared>>) target(%dma_start3A_16 : memref<625x128xf32, #tpu.memory_space<hbm>>) target_semaphore(%run_scoped3A : memref<!tpu.dma_semaphore, #tpu.memory_space<semaphore_mem>>)
      %dma_wait3A = arith.constant 0 : i32
      %dma_wait3A_19 = arith.constant 0 : i32
      %dma_wait3A_20 = tpu.memref_slice %arg6[%arg0, %arg1, %dma_wait3A, %dma_wait3A_19] : memref<2x16x625x128xf32, #tpu.memory_space<hbm>> -> memref<1x1x625x128xf32, #tpu.memory_space<hbm>>
      %dma_wait3A_21 = tpu.memref_squeeze %dma_wait3A_20 : memref<1x1x625x128xf32, #tpu.memory_space<hbm>> -> memref<625x128xf32, #tpu.memory_space<hbm>>
      %dma_wait3A_22 = arith.constant 0 : i32
      %dma_wait3A_23 = tpu.memref_slice %arg11[%mul3A_13, %dma_wait3A_22] : memref<10000x128xf32, #tpu.memory_space<vmem_shared>> -> memref<625x128xf32, #tpu.memory_space<vmem_shared>>
      tpu.wait_dma2 semaphore(%run_scoped3A : memref<!tpu.dma_semaphore, #tpu.memory_space<semaphore_mem>>) src(%dma_wait3A_23 : memref<625x128xf32, #tpu.memory_space<vmem_shared>>) dst(%dma_wait3A_21 : memref<625x128xf32, #tpu.memory_space<hbm>>)
      tpu.yield
    }) : () -> ()
    return
  }
}

module attributes {stable_mosaic.version = 14 : i64} {
  func.func @_prep_body(%arg0: memref<2x10000x16xf32, #tpu.memory_space<vmem>>, %arg1: memref<10000x128xf32, #tpu.memory_space<vmem>>, %arg2: memref<10000x128xf32, #tpu.memory_space<vmem>>, %arg3: memref<10000x1xf32, #tpu.memory_space<vmem>>, %arg4: memref<10000x1xf32, #tpu.memory_space<vmem>>) attributes {dimension_semantics = [], scalar_prefetch = 0 : i64, scratch_operands = 0 : i64, tpu.core_type = #tpu.core_type<tc>} {
    %get3A = arith.constant 0 : index
    %get3A_0 = arith.constant 0 : index
    %get3A_1 = arith.constant 0 : index
    %get3A_2 = vector.load %arg0[%get3A, %get3A_0, %get3A_1] : memref<2x10000x16xf32, #tpu.memory_space<vmem>>, vector<1x10000x1xf32>
    %get3A_3 = vector.shape_cast %get3A_2 : vector<1x10000x1xf32> to vector<10000x1xf32>
    %get3A_4 = arith.constant 1 : index
    %get3A_5 = arith.constant 0 : index
    %get3A_6 = arith.constant 0 : index
    %get3A_7 = vector.load %arg0[%get3A_4, %get3A_5, %get3A_6] : memref<2x10000x16xf32, #tpu.memory_space<vmem>>, vector<1x10000x1xf32>
    %get3A_8 = vector.shape_cast %get3A_7 : vector<1x10000x1xf32> to vector<10000x1xf32>
    %add3A = arith.addf %get3A_3, %get3A_8 : vector<10000x1xf32>
    %add3A_9 = arith.constant 1.000000e+00 : f32
    %add3A_10 = vector.broadcast %add3A_9 : f32 to vector<10000x1xf32>
    %add3A_11 = arith.addf %add3A, %add3A_10 : vector<10000x1xf32>
    %rsqrt3A = math.rsqrt %add3A_11 : vector<10000x1xf32>
    %swap3A = arith.constant 0 : index
    %swap3A_12 = arith.constant 0 : index
    %swap3A_13 = vector.load %arg3[%swap3A, %swap3A_12] : memref<10000x1xf32, #tpu.memory_space<vmem>>, vector<10000x1xf32>
    tpu.vector_store %arg3[%swap3A, %swap3A_12], %rsqrt3A {strides = array<i32>} : memref<10000x1xf32, #tpu.memory_space<vmem>>, vector<10000x1xf32>,
    %div3A = arith.constant 1.000000e+00 : f32
    %div3A_14 = vector.broadcast %div3A : f32 to vector<10000x1xf32>
    %div3A_15 = arith.divf %div3A_14, %add3A_11 : vector<10000x1xf32>
    %swap3A_16 = arith.constant 0 : index
    %swap3A_17 = arith.constant 0 : index
    %swap3A_18 = vector.load %arg4[%swap3A_16, %swap3A_17] : memref<10000x1xf32, #tpu.memory_space<vmem>>, vector<10000x1xf32>
    tpu.vector_store %arg4[%swap3A_16, %swap3A_17], %div3A_15 {strides = array<i32>} : memref<10000x1xf32, #tpu.memory_space<vmem>>, vector<10000x1xf32>,
    %get3A_19 = arith.constant 0 : index
    %get3A_20 = arith.constant 0 : index
    %get3A_21 = vector.load %arg1[%get3A_19, %get3A_20] : memref<10000x128xf32, #tpu.memory_space<vmem>>, vector<10000x128xf32>
    %mul3A = vector.broadcast %rsqrt3A : vector<10000x1xf32> to vector<10000x128xf32>
    %mul3A_22 = arith.mulf %get3A_21, %mul3A : vector<10000x128xf32>
    %swap3A_23 = arith.constant 0 : index
    %swap3A_24 = arith.constant 0 : index
    %swap3A_25 = vector.load %arg2[%swap3A_23, %swap3A_24] : memref<10000x128xf32, #tpu.memory_space<vmem>>, vector<10000x128xf32>
    tpu.vector_store %arg2[%swap3A_23, %swap3A_24], %mul3A_22 {strides = array<i32>} : memref<10000x128xf32, #tpu.memory_space<vmem>>, vector<10000x128xf32>,
    return
  }
}

module attributes {stable_mosaic.version = 14 : i64} {
  func.func @_main_body(%arg0: i32, %arg1: memref<2x2000x128xf32, #tpu.memory_space<vmem>>, %arg2: memref<2000x128xf32, #tpu.memory_space<vmem>>, %arg3: memref<2000x1xf32, #tpu.memory_space<vmem>>, %arg4: memref<2000x1xf32, #tpu.memory_space<vmem>>, %arg5: memref<128x512xf32, #tpu.memory_space<vmem>>, %arg6: memref<1x512xf32, #tpu.memory_space<vmem>>, %arg7: memref<1x1xf32, #tpu.memory_space<vmem>>, %arg8: memref<512x256xf32, #tpu.memory_space<vmem>>, %arg9: memref<2000x256xf32, #tpu.memory_space<vmem>>, %arg10: memref<2000x128xf32, #tpu.memory_space<vmem>>, %arg11: memref<2000x128xf32, #tpu.memory_space<vmem>>) attributes {dimension_semantics = [#tpu.dimension_semantics<arbitrary>], iteration_bounds = array<i64: 5>, scalar_prefetch = 0 : i64, scratch_operands = 0 : i64, tpu.core_type = #tpu.core_type<tc>, window_params = [{transform_indices = @transform_0, window_bounds = array<i64: 2, 2000, 128>}, {transform_indices = @transform_1, window_bounds = array<i64: 2000, 128>}, {transform_indices = @transform_2, window_bounds = array<i64: 2000, 1>}, {transform_indices = @transform_3, window_bounds = array<i64: 2000, 1>}, {pipeline_mode = #tpu.pipeline_mode<synchronous>, transform_indices = @transform_4, window_bounds = array<i64: 128, 512>}, {pipeline_mode = #tpu.pipeline_mode<synchronous>, transform_indices = @transform_5, window_bounds = array<i64: 1, 512>}, {pipeline_mode = #tpu.pipeline_mode<synchronous>, transform_indices = @transform_6, window_bounds = array<i64: 1, 1>}, {pipeline_mode = #tpu.pipeline_mode<synchronous>, transform_indices = @transform_7, window_bounds = array<i64: 512, 256>}, {transform_indices = @transform_8, window_bounds = array<i64: 2000, 256>}, {transform_indices = @transform_9, window_bounds = array<i64: 2000, 128>}, {transform_indices = @transform_10, window_bounds = array<i64: 2000, 128>}]} {
    %get3A = arith.constant 0 : index
    %get3A_0 = arith.constant 0 : index
    %get3A_1 = vector.load %arg3[%get3A, %get3A_0] : memref<2000x1xf32, #tpu.memory_space<vmem>>, vector<2000x1xf32>
    %get3A_2 = arith.constant 0 : index
    %get3A_3 = arith.constant 0 : index
    %get3A_4 = arith.constant 0 : index
    %get3A_5 = vector.load %arg1[%get3A_2, %get3A_3, %get3A_4] : memref<2x2000x128xf32, #tpu.memory_space<vmem>>, vector<1x2000x128xf32>
    %get3A_6 = vector.shape_cast %get3A_5 : vector<1x2000x128xf32> to vector<2000x128xf32>
    %get3A_7 = arith.constant 1 : index
    %get3A_8 = arith.constant 0 : index
    %get3A_9 = arith.constant 0 : index
    %get3A_10 = vector.load %arg1[%get3A_7, %get3A_8, %get3A_9] : memref<2x2000x128xf32, #tpu.memory_space<vmem>>, vector<1x2000x128xf32>
    %get3A_11 = vector.shape_cast %get3A_10 : vector<1x2000x128xf32> to vector<2000x128xf32>
    %add3A = arith.addf %get3A_6, %get3A_11 : vector<2000x128xf32>
    %mul3A = vector.broadcast %get3A_1 : vector<2000x1xf32> to vector<2000x128xf32>
    %mul3A_12 = arith.mulf %mul3A, %add3A : vector<2000x128xf32>
    %get3A_13 = arith.constant 0 : index
    %get3A_14 = arith.constant 0 : index
    %get3A_15 = vector.load %arg4[%get3A_13, %get3A_14] : memref<2000x1xf32, #tpu.memory_space<vmem>>, vector<2000x1xf32>
    %get3A_16 = arith.constant 0 : index
    %get3A_17 = arith.constant 0 : index
    %get3A_18 = vector.load %arg2[%get3A_16, %get3A_17] : memref<2000x128xf32, #tpu.memory_space<vmem>>, vector<2000x128xf32>
    %mul3A_19 = vector.broadcast %get3A_15 : vector<2000x1xf32> to vector<2000x128xf32>
    %mul3A_20 = arith.mulf %mul3A_19, %get3A_18 : vector<2000x128xf32>
    %add3A_21 = arith.addf %mul3A_12, %mul3A_20 : vector<2000x128xf32>
    %get3A_22 = arith.constant 0 : index
    %get3A_23 = arith.constant 0 : index
    %get3A_24 = vector.load %arg5[%get3A_22, %get3A_23] : memref<128x512xf32, #tpu.memory_space<vmem>>, vector<128x512xf32>
    %dot_general3A = arith.constant dense<0.000000e+00> : vector<2000x512xf32>
    %dot_general3A_25 = tpu.matmul %add3A_21, %get3A_24, %dot_general3A {dimension_numbers = #tpu.dot_dimension_numbers<[1], [0], [0], [1], [0, 0, 1, 1], [], []>, transpose_lhs_hint = false} : vector<2000x128xf32>, vector<128x512xf32>, vector<2000x512xf32> -> vector<2000x512xf32>
    %get3A_26 = arith.constant 0 : index
    %get3A_27 = arith.constant 0 : index
    %get3A_28 = vector.load %arg6[%get3A_26, %get3A_27] : memref<1x512xf32, #tpu.memory_space<vmem>>, vector<1x512xf32>
    %add3A_29 = vector.broadcast %get3A_28 : vector<1x512xf32> to vector<2000x512xf32>
    %add3A_30 = arith.addf %dot_general3A_25, %add3A_29 : vector<2000x512xf32>
    %get3A_31 = arith.constant 0 : index
    %get3A_32 = arith.constant 0 : index
    %get3A_33 = vector.load %arg7[%get3A_31, %get3A_32] : memref<1x1xf32, #tpu.memory_space<vmem>>, vector<1x1xf32>
    %get3A_34 = vector.extract %get3A_33[0, 0] : f32 from vector<1x1xf32>
    %ge3A = arith.constant 0.000000e+00 : f32
    %ge3A_35 = vector.broadcast %ge3A : f32 to vector<2000x512xf32>
    %ge3A_36 = arith.cmpf oge, %add3A_30, %ge3A_35 : vector<2000x512xf32>
    %mul3A_37 = vector.broadcast %get3A_34 : f32 to vector<2000x512xf32>
    %mul3A_38 = arith.mulf %mul3A_37, %add3A_30 : vector<2000x512xf32>
    %select_n3A = arith.select %ge3A_36, %add3A_30, %mul3A_38 : vector<2000x512xi1>, vector<2000x512xf32>
    %get3A_39 = arith.constant 0 : index
    %get3A_40 = arith.constant 0 : index
    %get3A_41 = vector.load %arg8[%get3A_39, %get3A_40] : memref<512x256xf32, #tpu.memory_space<vmem>>, vector<512x256xf32>
    %dot_general3A_42 = arith.constant dense<0.000000e+00> : vector<2000x256xf32>
    %dot_general3A_43 = tpu.matmul %select_n3A, %get3A_41, %dot_general3A_42 {dimension_numbers = #tpu.dot_dimension_numbers<[1], [0], [0], [1], [0, 0, 1, 1], [], []>, transpose_lhs_hint = false} : vector<2000x512xf32>, vector<512x256xf32>, vector<2000x256xf32> -> vector<2000x256xf32>
    %swap3A = arith.constant 0 : index
    %swap3A_44 = arith.constant 0 : index
    %swap3A_45 = vector.load %arg9[%swap3A, %swap3A_44] : memref<2000x256xf32, #tpu.memory_space<vmem>>, vector<2000x256xf32>
    tpu.vector_store %arg9[%swap3A, %swap3A_44], %dot_general3A_43 {strides = array<i32>} : memref<2000x256xf32, #tpu.memory_space<vmem>>, vector<2000x256xf32>,
    %mul3A_46 = vector.broadcast %get3A_1 : vector<2000x1xf32> to vector<2000x256xf32>
    %mul3A_47 = arith.mulf %mul3A_46, %dot_general3A_43 : vector<2000x256xf32>
    %slice3A = vector.extract_strided_slice %mul3A_47 {offsets = [0, 0], sizes = [2000, 128], strides = [1, 1]} : vector<2000x256xf32> to vector<2000x128xf32>
    %swap3A_48 = arith.constant 0 : index
    %swap3A_49 = arith.constant 0 : index
    %swap3A_50 = vector.load %arg10[%swap3A_48, %swap3A_49] : memref<2000x128xf32, #tpu.memory_space<vmem>>, vector<2000x128xf32>
    tpu.vector_store %arg10[%swap3A_48, %swap3A_49], %slice3A {strides = array<i32>} : memref<2000x128xf32, #tpu.memory_space<vmem>>, vector<2000x128xf32>,
    %slice3A_51 = vector.extract_strided_slice %mul3A_47 {offsets = [0, 128], sizes = [2000, 128], strides = [1, 1]} : vector<2000x256xf32> to vector<2000x128xf32>
    %swap3A_52 = arith.constant 0 : index
    %swap3A_53 = arith.constant 0 : index
    %swap3A_54 = vector.load %arg11[%swap3A_52, %swap3A_53] : memref<2000x128xf32, #tpu.memory_space<vmem>>, vector<2000x128xf32>
    tpu.vector_store %arg11[%swap3A_52, %swap3A_53], %slice3A_51 {strides = array<i32>} : memref<2000x128xf32, #tpu.memory_space<vmem>>, vector<2000x128xf32>,
    return
  }
  func.func @transform_0(%arg0: i32) -> (i32, i32, i32) {
    %c0_i32 = arith.constant 0 : i32
    %c0_i32_0 = arith.constant 0 : i32
    %c0_i32_1 = arith.constant 0 : i32
    return %c0_i32, %arg0, %c0_i32_0 : i32, i32, i32
  }
  func.func @transform_1(%arg0: i32) -> (i32, i32) {
    %c0_i32 = arith.constant 0 : i32
    %c0_i32_0 = arith.constant 0 : i32
    return %arg0, %c0_i32 : i32, i32
  }
  func.func @transform_2(%arg0: i32) -> (i32, i32) {
    %c0_i32 = arith.constant 0 : i32
    %c0_i32_0 = arith.constant 0 : i32
    return %arg0, %c0_i32 : i32, i32
  }
  func.func @transform_3(%arg0: i32) -> (i32, i32) {
    %c0_i32 = arith.constant 0 : i32
    %c0_i32_0 = arith.constant 0 : i32
    return %arg0, %c0_i32 : i32, i32
  }
  func.func @transform_4(%arg0: i32) -> (i32, i32) {
    %c0_i32 = arith.constant 0 : i32
    %c0_i32_0 = arith.constant 0 : i32
    %c0_i32_1 = arith.constant 0 : i32
    return %c0_i32, %c0_i32_0 : i32, i32
  }
  func.func @transform_5(%arg0: i32) -> (i32, i32) {
    %c0_i32 = arith.constant 0 : i32
    %c0_i32_0 = arith.constant 0 : i32
    %c0_i32_1 = arith.constant 0 : i32
    return %c0_i32, %c0_i32_0 : i32, i32
  }
  func.func @transform_6(%arg0: i32) -> (i32, i32) {
    %c0_i32 = arith.constant 0 : i32
    %c0_i32_0 = arith.constant 0 : i32
    %c0_i32_1 = arith.constant 0 : i32
    return %c0_i32, %c0_i32_0 : i32, i32
  }
  func.func @transform_7(%arg0: i32) -> (i32, i32) {
    %c0_i32 = arith.constant 0 : i32
    %c0_i32_0 = arith.constant 0 : i32
    %c0_i32_1 = arith.constant 0 : i32
    return %c0_i32, %c0_i32_0 : i32, i32
  }
  func.func @transform_8(%arg0: i32) -> (i32, i32) {
    %c0_i32 = arith.constant 0 : i32
    %c0_i32_0 = arith.constant 0 : i32
    return %arg0, %c0_i32 : i32, i32
  }
  func.func @transform_9(%arg0: i32) -> (i32, i32) {
    %c0_i32 = arith.constant 0 : i32
    %c0_i32_0 = arith.constant 0 : i32
    return %arg0, %c0_i32 : i32, i32
  }
  func.func @transform_10(%arg0: i32) -> (i32, i32) {
    %c0_i32 = arith.constant 0 : i32
    %c0_i32_0 = arith.constant 0 : i32
    return %arg0, %c0_i32 : i32, i32
  }
}

module attributes {stable_mosaic.version = 14 : i64} {
  func.func @_final_body(%arg0: i32, %arg1: memref<2x2000x128xf32, #tpu.memory_space<vmem>>, %arg2: memref<2000x256xf32, #tpu.memory_space<vmem>>, %arg3: memref<2000x1xf32, #tpu.memory_space<vmem>>, %arg4: memref<2000x1xf32, #tpu.memory_space<vmem>>, %arg5: memref<1x256xf32, #tpu.memory_space<vmem>>, %arg6: memref<2000x256xf32, #tpu.memory_space<vmem>>) attributes {dimension_semantics = [#tpu.dimension_semantics<arbitrary>], iteration_bounds = array<i64: 5>, scalar_prefetch = 0 : i64, scratch_operands = 0 : i64, tpu.core_type = #tpu.core_type<tc>, window_params = [{transform_indices = @transform_0, window_bounds = array<i64: 2, 2000, 128>}, {transform_indices = @transform_1, window_bounds = array<i64: 2000, 256>}, {transform_indices = @transform_2, window_bounds = array<i64: 2000, 1>}, {transform_indices = @transform_3, window_bounds = array<i64: 2000, 1>}, {pipeline_mode = #tpu.pipeline_mode<synchronous>, transform_indices = @transform_4, window_bounds = array<i64: 1, 256>}, {transform_indices = @transform_5, window_bounds = array<i64: 2000, 256>}]} {
    %get3A = arith.constant 0 : index
    %get3A_0 = arith.constant 0 : index
    %get3A_1 = arith.constant 0 : index
    %get3A_2 = vector.load %arg1[%get3A, %get3A_0, %get3A_1] : memref<2x2000x128xf32, #tpu.memory_space<vmem>>, vector<1x2000x128xf32>
    %get3A_3 = vector.shape_cast %get3A_2 : vector<1x2000x128xf32> to vector<2000x128xf32>
    %get3A_4 = arith.constant 1 : index
    %get3A_5 = arith.constant 0 : index
    %get3A_6 = arith.constant 0 : index
    %get3A_7 = vector.load %arg1[%get3A_4, %get3A_5, %get3A_6] : memref<2x2000x128xf32, #tpu.memory_space<vmem>>, vector<1x2000x128xf32>
    %get3A_8 = vector.shape_cast %get3A_7 : vector<1x2000x128xf32> to vector<2000x128xf32>
    %concatenate3A = tpu.concatenate %get3A_3, %get3A_8 in 1 : vector<2000x128xf32>, vector<2000x128xf32> -> vector<2000x256xf32>
    %get3A_9 = arith.constant 0 : index
    %get3A_10 = arith.constant 0 : index
    %get3A_11 = vector.load %arg3[%get3A_9, %get3A_10] : memref<2000x1xf32, #tpu.memory_space<vmem>>, vector<2000x1xf32>
    %mul3A = vector.broadcast %get3A_11 : vector<2000x1xf32> to vector<2000x256xf32>
    %mul3A_12 = arith.mulf %mul3A, %concatenate3A : vector<2000x256xf32>
    %get3A_13 = arith.constant 0 : index
    %get3A_14 = arith.constant 0 : index
    %get3A_15 = vector.load %arg4[%get3A_13, %get3A_14] : memref<2000x1xf32, #tpu.memory_space<vmem>>, vector<2000x1xf32>
    %get3A_16 = arith.constant 0 : index
    %get3A_17 = arith.constant 0 : index
    %get3A_18 = vector.load %arg2[%get3A_16, %get3A_17] : memref<2000x256xf32, #tpu.memory_space<vmem>>, vector<2000x256xf32>
    %mul3A_19 = vector.broadcast %get3A_15 : vector<2000x1xf32> to vector<2000x256xf32>
    %mul3A_20 = arith.mulf %mul3A_19, %get3A_18 : vector<2000x256xf32>
    %add3A = arith.addf %mul3A_12, %mul3A_20 : vector<2000x256xf32>
    %get3A_21 = arith.constant 0 : index
    %get3A_22 = arith.constant 0 : index
    %get3A_23 = vector.load %arg5[%get3A_21, %get3A_22] : memref<1x256xf32, #tpu.memory_space<vmem>>, vector<1x256xf32>
    %add3A_24 = vector.broadcast %get3A_23 : vector<1x256xf32> to vector<2000x256xf32>
    %add3A_25 = arith.addf %add3A, %add3A_24 : vector<2000x256xf32>
    %swap3A = arith.constant 0 : index
    %swap3A_26 = arith.constant 0 : index
    %swap3A_27 = vector.load %arg6[%swap3A, %swap3A_26] : memref<2000x256xf32, #tpu.memory_space<vmem>>, vector<2000x256xf32>
    tpu.vector_store %arg6[%swap3A, %swap3A_26], %add3A_25 {strides = array<i32>} : memref<2000x256xf32, #tpu.memory_space<vmem>>, vector<2000x256xf32>,
    return
  }
  func.func @transform_0(%arg0: i32) -> (i32, i32, i32) {
    %c0_i32 = arith.constant 0 : i32
    %c0_i32_0 = arith.constant 0 : i32
    %c0_i32_1 = arith.constant 0 : i32
    return %c0_i32, %arg0, %c0_i32_0 : i32, i32, i32
  }
  func.func @transform_1(%arg0: i32) -> (i32, i32) {
    %c0_i32 = arith.constant 0 : i32
    %c0_i32_0 = arith.constant 0 : i32
    return %arg0, %c0_i32 : i32, i32
  }
  func.func @transform_2(%arg0: i32) -> (i32, i32) {
    %c0_i32 = arith.constant 0 : i32
    %c0_i32_0 = arith.constant 0 : i32
    return %arg0, %c0_i32 : i32, i32
  }
  func.func @transform_3(%arg0: i32) -> (i32, i32) {
    %c0_i32 = arith.constant 0 : i32
    %c0_i32_0 = arith.constant 0 : i32
    return %arg0, %c0_i32 : i32, i32
  }
  func.func @transform_4(%arg0: i32) -> (i32, i32) {
    %c0_i32 = arith.constant 0 : i32
    %c0_i32_0 = arith.constant 0 : i32
    %c0_i32_1 = arith.constant 0 : i32
    return %c0_i32, %c0_i32_0 : i32, i32
  }
  func.func @transform_5(%arg0: i32) -> (i32, i32) {
    %c0_i32 = arith.constant 0 : i32
    %c0_i32_0 = arith.constant 0 : i32
    return %arg0, %c0_i32 : i32, i32
  }
}

</mosaic_0001>

<sc_bundles>
// kernel: kernel.11.cloned.1.call-start
scs
__scs_entry_jumppad:
0x0: {  	(pc) =	sbr.rel $0x88, $3  }
0x1: {  	(tag) =	ssettag $0x0;
	lr =	simm.s32 $0x1  }
0x2: {  	[smem:$0x3F9A] =	sst lr;
	_ =	strace $0xD0000000  }
0x3: {  	_ = 	snop  }
0x4: {  	_ = 	snop  }
0x5: {  	_ = 	snop  }
0x6: {  	_ = 	snop  }
0x7: {  	_ = 	snop  }
__scs_overlays_trampoline_lowered:
0x8: {  	[smem:$0x3FA9] =	sst s0  }
0x9: {  	[smem:$0x3FAA] =	sst s1  }
0xa: {  	[smem:$0x3FAB] =	sst s2  }
0xb: {  	[smem:$0x3FAC] =	sst s3  }
0xc: {  	[smem:$0x3FAD] =	sst s4  }
0xd: {  	[smem:$0x3FAE] =	sst s5  }
0xe: {  	[smem:$0x3FAF] =	sst s6  }
0xf: {  	[smem:$0x3FB0] =	sst s7  }
0x10: {  	[smem:$0x3FB1] =	sst s8  }
0x11: {  	[smem:$0x3FB2] =	sst s9;
	s0 =	simm.s32 @!p0 $0x0  }
0x12: {  	s1 =	sld [smem:$0x3F98];
	s0 =	simm.s32 @p0 $0x1  }
0x13: {  	[smem:$0x3FB3] =	sst s0;
	s0 =	simm.s32 @!p1 $0x0  }
0x14: {  	s2 =	sld [smem:$0x3F97];
	s0 =	simm.s32 @p1 $0x1  }
0x15: {  	[smem:$0x3FB4] =	sst s0;
	s0 =	simm.s32 @!p2 $0x0  }
0x16: {  	s3 =	sld [smem:$0x3FDB];
	s0 =	simm.s32 @p2 $0x1  }
0x17: {  	s4 =	simm.s32 $0x1BF5;
	[smem:$0x3FB6] =	sst s0  }
0x18: {  	s0 =	sld [smem:$0x3F99];
	_ =	swait.ge [sflag:s4], $0x0  }
0x19: {  	s7 =	sld [smem:$0x3F9A]  }
0x1a: {  	s8 =	sadd.s32 $0xFFFFE003, lr  }
0x1b: {  	s9 =	sadd.s32 $0xFFFFFEF7, lr;
	s5 =	simm.s32 $0xFFFFFFFF;
	p2 =	slt.u32 s8, $0xFFFFF086  }
0x1c: {  	p1 =	slt.u32 s9, $0xF7A;
	s5 =	simm.s32 @!p2 $0x0  }
0x1d: {  	s5 =	simm.s32 @p1 $0x1;
	p0 =	seq.s32 s7, s2  }
0x1e: {  	s7 =	smul.u32 @!p0 $0xF7A, s2;
	p2 =	seq.s32 @!p0 s5, $0x0  }
0x1f: {  	s9 =	smul.u32 $0xF7A, s1;
	s8 =	simm.s32 @!p0 $0x1BF5;
	p2 =	por !p2, p0  }
0x20: {  	[sflag:s8] =	ssyncset.s32 @!p0 $0xFFFFF086;
	s6 =	sadd.s32 @!p0 s3, s7;
	s7 =	simm.s32 @!p0 $0x108  }
0x21: {  	s3 =	sadd.s32 s3, s9;
	s6 =	sadd.s32 @!p0 $0x88, s6;
	s7 =	simm.s32 @p2 $0x1082  }
0x22: {  	[simem:s7], [sflag:s8] =	dma.local @!p0 [hbm:s6], $0xF7A  }
0x23: {  	s9 =	sor.u32 $0xD0000000, s2;
	s6 =	simm.s32 $0x108;
	_ =	swait.ge @!p0 [sflag:s8], $0x0  }
0x24: {  	s3 =	sadd.s32 $0x88, s3;
	s6 =	simm.s32 @!p1 $0x1082;
	[sflag:s4] =	ssyncset.s32 $0xFFFFF086  }
0x25: {  	[simem:s6], [sflag:s4] =	dma.local [hbm:s3], $0xF7A  }
0x26: {  	[smem:$0x3F9A] =	sst s1;
	(tag) =	ssettag s2;
	_ =	strace s9  }
0x27: {  	s1 =	sld [smem:$0x3FAA]  }
0x28: {  	s2 =	sld [smem:$0x3FAB]  }
0x29: {  	s4 =	sld [smem:$0x3FAD]  }
0x2a: {  	p0 =	seq.s32 s5, $0x0;
	s5 =	sld [smem:$0x3FAE]  }
0x2b: {  	s6 =	sld [smem:$0x3FAF]  }
0x2c: {  	s7 =	sld [smem:$0x3FB0]  }
0x2d: {  	s3 =	simm.s32 $0x108;
	s8 =	sld [smem:$0x3FB1]  }
0x2e: {  	s3 =	simm.s32 @!p0 $0x1082;
	s9 =	sld [smem:$0x3FB2]  }
0x2f: {  	lr =	sadd.s32 s0, s3;
	s0 =	sld [smem:$0x3FA9]  }
0x30: {  	s3 =	sld [smem:$0x3FAC]  }
0x31: {  	[smem:$0x3FB5] =	sst s10  }
0x32: {  	s10 =	sld [smem:$0x3FB3];
	_ =	sdelay $0x3  }
0x33: {  	p0 =	seq.s32 s10, $0x1;
	s10 =	sld [smem:$0x3FB5];
	_ =	sdelay $0x3  }
0x34: {  	[smem:$0x3FB5] =	sst s10  }
0x35: {  	s10 =	sld [smem:$0x3FB4];
	_ =	sdelay $0x3  }
0x36: {  	p1 =	seq.s32 s10, $0x1;
	s10 =	sld [smem:$0x3FB5];
	_ =	sdelay $0x3  }
0x37: {  	[smem:$0x3FB5] =	sst s10  }
0x38: {  	s10 =	sld [smem:$0x3FB6]  }
0x39: {  	_ = 	snop;
	(pc) =	sbr.ind lr, $3  }
0x3a: {  	_ = 	snop  }
0x3b: {  	_ = 	snop  }
0x3c: {  	p2 =	seq.s32 s10, $0x1;
	s10 =	sld [smem:$0x3FB5]  }
0x3d: {  	_ =	shalt  }
0x3e: {  	_ =	shalt  }
0x3f: {  	_ =	shalt  }
0x40: {  	_ =	shalt  }
0x41: {  	_ =	shalt  }
0x42: {  	_ =	shalt  }
0x43: {  	_ =	shalt  }
0x44: {  	_ =	shalt  }
0x45: {  	_ =	shalt  }
0x46: {  	_ =	shalt  }
0x47: {  	_ =	shalt  }
0x48: {  	_ =	shalt  }
0x49: {  	_ =	shalt  }
0x4a: {  	_ =	shalt  }
0x4b: {  	_ =	shalt  }
0x4c: {  	_ =	shalt  }
0x4d: {  	_ =	shalt  }
0x4e: {  	_ =	shalt  }
0x4f: {  	_ =	shalt  }
0x50: {  	_ =	shalt  }
0x51: {  	_ =	shalt  }
0x52: {  	_ =	shalt  }
0x53: {  	_ =	shalt  }
0x54: {  	_ =	shalt  }
0x55: {  	_ =	shalt  }
0x56: {  	_ =	shalt  }
0x57: {  	_ =	shalt  }
0x58: {  	_ =	shalt  }
0x59: {  	_ =	shalt  }
0x5a: {  	_ =	shalt  }
0x5b: {  	_ =	shalt  }
0x5c: {  	_ =	shalt  }
0x5d: {  	_ =	shalt  }
0x5e: {  	_ =	shalt  }
0x5f: {  	_ =	shalt  }
0x60: {  	_ =	shalt  }
0x61: {  	_ =	shalt  }
0x62: {  	_ =	shalt  }
0x63: {  	_ =	shalt  }
0x64: {  	_ =	shalt  }
0x65: {  	_ =	shalt  }
0x66: {  	_ =	shalt  }
0x67: {  	_ =	shalt  }
0x68: {  	_ =	shalt  }
0x69: {  	_ =	shalt  }
0x6a: {  	_ =	shalt  }
0x6b: {  	_ =	shalt  }
0x6c: {  	_ =	shalt  }
0x6d: {  	_ =	shalt  }
0x6e: {  	_ =	shalt  }
0x6f: {  	_ =	shalt  }
0x70: {  	_ =	shalt  }
0x71: {  	_ =	shalt  }
0x72: {  	_ =	shalt  }
0x73: {  	_ =	shalt  }
0x74: {  	_ =	shalt  }
0x75: {  	_ =	shalt  }
0x76: {  	_ =	shalt  }
0x77: {  	_ =	shalt  }
0x78: {  	_ =	shalt  }
0x79: {  	_ =	shalt  }
0x7a: {  	_ =	shalt  }
0x7b: {  	_ =	shalt  }
0x7c: {  	_ =	shalt  }
0x7d: {  	_ =	shalt  }
0x7e: {  	_ =	shalt  }
0x7f: {  	_ =	shalt  }
0x80: {  	_ =	shalt  }
0x81: {  	_ =	shalt  }
0x82: {  	_ =	shalt  }
0x83: {  	_ =	shalt  }
0x84: {  	_ =	shalt  }
0x85: {  	_ =	shalt  }
0x86: {  	_ =	shalt  }
0x87: {  	_ =	shalt  }
.Lfunc_end0:
.L_simem_size_0:
called_computation.1_lowered:
.L_overlay_start_0:
0x88: {  	s2 =	sld [smem:$0x3FD9]  }
0x89: {  	s3 =	sld [smem:$0x3FFE];
	_ =	sdelay $0x1  }
0x8a: {  	s1 =	srdreg.scid  }
0x8b: {  	s0 =	sand.u32 $0x1, s1  }
0x8c: {  	s17 =	sshll.u32 s0, $0xA;
	s2 =	sadd.s32 s3, s2  }
0x8d: {  	s2 =	sadd.s32 s2, s17  }
0x8e: {  	[smem:$0x3FC1] =	sst s2  }
0x8f: {  	_ = 	snop  }
0x90: {  	s2 =	sld [smem:$0x3FD0];
	(tm) =	ssettm $0x1  }
0x91: {  	s18 =	sld [smem:$0x3FFB];
	_ =	sdelay $0x3  }
0x92: {  	_ =	strace s18  }
0x93: {  	s3 =	sld [smem:$0x3FFC];
	_ =	sdelay $0x3  }
0x94: {  	_ =	strace s3  }
0x95: {  	s3 =	sld [smem:$0x3FFD];
	_ =	sdelay $0x3  }
0x96: {  	_ =	strace s3  }
0x97: {  	_ =	strace $0x8FFFFFFF  }
0x98: {  	s19 =	sld [smem:$0x3FDB];
	_ =	sdelay $0x1  }
0x99: {  	s4 =	simm.s32 $_scs_section_size  }
0x9a: {  	s5 =	simm.s32 $_size__tile_overlayer_lowered;
	s6 =	simm.s32 $_tile_overlayer_lowered  }
0x9b: {  	s22 =	simm.s32 $0x1BFF;
	s21 =	sshll.u32 s6, $0x1;
	s3 =	sadd.s32 s4, s19  }
0x9c: {  	s7 =	simm.s32 $0x0;
	s20 =	sshll.u32 s5, $0x1;
	s5 =	sadd.s32 s21, s3  }
0x9d: {  	[timem:s7], [sflag:s22] =	dma.local [hbm:s5], s20  }
0x9e: {  	_ =	swait.ge [sflag:s22], s20  }
0x9f: {  	s4 =	ssub.s32 $0x0, s20;
	[sflag:s22] =	ssyncset.done $0x0  }
0xa0: {  	[sflag:s22] =	ssyncadd.s32 s4;
	_ =	sdelay $0x1  }
0xa1: {  	s23 =	simm.s32 $0x1B8B  }
0xa2: {  	_ =	swait.ge [sflag:s23], $0x1  }
0xa3: {  	[sflag:s23] =	ssyncset.done $0x0  }
0xa4: {  	s25 =	simm.s32 $0x1B8E;
	s24 =	sld [smem:$0x3FFE];
	[sflag:s23] =	ssyncadd.s32 $0xFFFFFFFF  }
0xa5: {  	s26 =	simm.s32 $execute0_lowered;
	[smem:$0x3FD2] =	sst s25  }
0xa6: {  	s5 =	sshll.u32 s26, $0x1;
	_ =	strace $0x80000049;
	[dreg:$0x1] =	wrdreg $0xFFFFFFFF  }
0xa7: {  	s28 =	simm.s32 $_size_execute0_lowered;
	s3 =	sadd.s32 s3, s5;
	[dreg:$0x0] =	wrdreg $0x0  }
0xa8: {  	s5 =	sshll.u32 s28, $0x1;
	[dreg:$0x2] =	wrdreg s3  }
0xa9: {  	[dreg:$0x3] =	wrdreg s5  }
0xaa: {  	[dreg:$0x4] =	wrdreg $0xC0  }
0xab: {  	_ =	task [dreg:s7], $0x5FFFF  }
0xac: {  	[dreg:$0x1] =	wrdreg $0xFFFFFFFF  }
0xad: {  	[dreg:$0x0] =	wrdreg $0x60  }
0xae: {  	[dreg:$0x2] =	wrdreg s24  }
0xaf: {  	[dreg:$0x3] =	wrdreg s2  }
0xb0: {  	[dreg:$0x4] =	wrdreg $0xA8000  }
0xb1: {  	[dreg:$0x5] =	wrdreg $0x9  }
0xb2: {  	_ =	task.clear_ibuf [dreg:s7], $0x6FFFF;
	_ =	strace $0x90000049  }
0xb3: {  	s29 =	simm.s32 $0x9;
	_ =	strace $0x8000004B  }
0xb4: {  	_ =	swait.ge [sflag:s29], $0x1  }
0xb5: {  	[sflag:s29] =	ssyncadd.s32 $0xFFFFFFFF  }
0xb6: {  	_ =	strace $0x9000004B  }
0xb7: {  	_ =	sfence  }
0xb8: {  	s30 =	sld [smem:$0x0];
	_ =	sdelay $0x2  }
0xb9: {  	s31 =	sshll.u32 s1, $0xD;
	s1 =	sshrl.u32 s1, $0x2  }
0xba: {  	s3 =	sand.u32 $0x4000, s31;
	s1 =	sadd.s32 s1, s30  }
0xbb: {  	s0 =	sor.u32 s3, s0;
	s1 =	sshll.u32 s1, $0x11  }
0xbc: {  	s0 =	sor.u32 s1, s0  }
0xbd: {  	s0 =	sadd.s32 $0x8F2B, s0  }
0xbe: {  	[sflag:s0] =	ssyncadd.remote.s32 $0x1  }
0xbf: {  	_ =	sfence.sel $0xFFFF  }
0xc0: {  	[dreg:$0x0] =	wrdreg $0xFFFFFFFF;
	(pc) =	sbr.abs _section_cstart, $3  }
0xc1: {  	[dreg:$0x1] =	wrdreg $0xFFFFFFFF  }
0xc2: {  	_ =	task.clear_ibuf [dreg:s7], $0x2FFFF;
	_ =	strace $0x9FFFFFFF  }
0xc3: {  	(tm) =	ssettm $0x7FFFFFFF  }
tec
execute0_lowered:
.L_overlay_start_1:
0x0: {  	(tag) =	ssettag $0x1  }
0x1: {  	s5 =	rddreg [dreg:$0x0]  }
0x2: {  	s8 =	rddreg [dreg:$0x1]  }
0x3: {  	s1 =	rddreg [dreg:$0x2]  }
0x4: {  	s0 =	rddreg [dreg:$0x3]  }
0x5: {  	s2 =	simm.s32 $0x0;
	s6 =	srdreg.scid;
	s3 =	stileid.u32  }
0x6: {  	s18 =	simm.s32 $0x3;
	s19 =	simm.s32 $0x1400;
	s20 =	simm.s32 $0x80  }
0x7: {  	s21 =	simm.s32 $0x6800;
	s22 =	simm.s32 $0x1;
	s23 =	simm.s32 $0x2  }
0x8: {  	s24 =	simm.s32 $0x2700;
	s25 =	simm.s32 $0x2780;
	s26 =	simm.s32 $0x0  }
0x9: {  	[smem:$0x7FF] =	sst s2;
	s4 =	sadd.s32 $0x48200, s5;
	s15 =	sadd.s32 $0x17000, s5  }
0xa: {  	s7 =	sand.u32 $0x1, s6;
	s30 =	smul.u32 $0x4E200, s3;
	s16 =	sadd.s32 $0xD000, s5  }
0xb: {  	s12 =	smul.u32 $0x13880, s3;
	s5 =	sadd.s32 $0x2A00, s5;
	s13 =	sshll.u32 s3, $0x1  }
0xc: {  	_ =	strace $0x8000004A;
	s9 =	ssub.s32 $0x2, s7;
	s10 =	smul.u32 $0x138800, s7  }
0xd: {  	s31 =	sshll.u32 s7, $0x5;
	s11 =	sshrl.u32 s9, $0x1;
	s6 =	sshrl.u32 s30, $0x2  }
0xe: {  	s9 =	ssub.s32 s9, s11;
	s6 =	sadd.s32 s6, s1;
	s10 =	sadd.s32 s12, s10  }
0xf: {  	s11 =	sor.u32 s13, s31;
	s7 =	sadd.s32 $0x10000, s6;
	s10 =	sshrl.u32 s10, $0x3  }
0x10: {  	s9 =	smax.u32 s9, $0x1;
	s17 =	smul.u32 $0x280, s11;
	s11 =	sadd.s32 $0x8000, s6  }
0x11: {  	s12 =	sadd.s32 $0xC000, s6;
	s8 =	sadd.s32 s8, s10;
	s10 =	sadd.s32 $0x4000, s6  }
0x12: {  	s13 =	sadd.s32 s15, s17;
	s14 =	sadd.s32 s16, s17;
	s17 =	sadd.s32 $0x280, s17  }
0x13: {  	s15 =	sadd.s32 s15, s17;
	s16 =	sadd.s32 s16, s17;
	s17 =	simm.s32 $0x2800  }
.LBB2_1:
0x14: {  	[tilespmem:s17], [sflag:$0x3] =	stream.linear.gather [hbm4b:s5+s2], $0x4000, $0x38;
	[tilespmem:$0x1E080] =	vst v63  }
0x15: {  	_ =	swait.ge [sflag:s18], $0x4000  }
0x16: {  	[sflag:s18] =	ssyncset.done $0x0  }
0x17: {  	[sflag:s18] =	ssyncadd.s32 $0xFFFFC000  }
0x18: {  	[spmem:s6] =	stream.linear.scatter [tilespmem:s17], [sflag:$0x3], $0x4000, $0x38;
	[tilespmem:$0x1E080] =	vst v63  }
0x19: {  	_ =	swait.ge [sflag:s18], $0x4000  }
0x1a: {  	[sflag:s18] =	ssyncset.done $0x0  }
0x1b: {  	[sflag:s18] =	ssyncadd.s32 $0xFFFFC000  }
0x1c: {  	[spmem:s10] =	stream.linear.scatter [tilespmem:s17], [sflag:$0x3], $0x4000, $0x38;
	[tilespmem:$0x1E080] =	vst v63  }
0x1d: {  	_ =	swait.ge [sflag:s18], $0x4000  }
0x1e: {  	[sflag:s18] =	ssyncset.done $0x0  }
0x1f: {  	[sflag:s18] =	ssyncadd.s32 $0xFFFFC000  }
0x20: {  	[spmem:s11] =	stream.linear.scatter [tilespmem:s17], [sflag:$0x3], $0x4000, $0x38;
	[tilespmem:$0x1E080] =	vst v63  }
0x21: {  	_ =	swait.ge [sflag:s18], $0x4000  }
0x22: {  	[sflag:s18] =	ssyncset.done $0x0  }
0x23: {  	[sflag:s18] =	ssyncadd.s32 $0xFFFFC000  }
0x24: {  	[spmem:s12] =	stream.linear.scatter [tilespmem:s17], [sflag:$0x3], $0x4000, $0x38;
	[tilespmem:$0x1E080] =	vst v63  }
0x25: {  	_ =	swait.ge [sflag:s18], $0x4000  }
0x26: {  	[sflag:s18] =	ssyncset.done $0x0  }
0x27: {  	[sflag:s18] =	ssyncadd.s32 $0xFFFFC000  }
0x28: {  	[spmem:s7] =	stream.linear.scatter [tilespmem:s17], [sflag:$0x3], $0x3880, $0x38;
	[tilespmem:$0x1E080] =	vst v63  }
0x29: {  	_ =	swait.ge [sflag:s18], $0x3880  }
0x2a: {  	[sflag:s18] =	ssyncset.done $0x0  }
0x2b: {  	[sflag:s18] =	ssyncadd.s32 $0xFFFFC780  }
0x2c: {  	[bflag:$0x0] =	sbarrier.arrive $0xFFFF  }
0x2d: {  	[tilespmem:s2], [sflag:$0x3] =	stream.linear.gather [hbm4b:s13+s2], $0x1400, $0x38;
	[tilespmem:$0x1E080] =	vst v63  }
0x2e: {  	_ =	swait.ge [sflag:s18], $0x1400  }
0x2f: {  	[sflag:s18] =	ssyncset.done $0x0  }
0x30: {  	[sflag:s18] =	ssyncadd.s32 $0xFFFFEC00  }
0x31: {  	[tilespmem:s19], [sflag:$0x3] =	stream.linear.gather [hbm4b:s14+s2], $0x1400, $0x38;
	[tilespmem:$0x1E080] =	vst v63  }
0x32: {  	_ =	swait.ge [sflag:s18], $0x1400  }
0x33: {  	[sflag:s18] =	ssyncset.done $0x0  }
0x34: {  	[sflag:s18] =	ssyncadd.s32 $0xFFFFEC00  }
0x35: {  	[tilespmem:s17], [sflag:$0x1] =	stream.indirect.gather [hbm4b:s4+s20], $0x80, s2, s20, $0xb8;
	[tilespmem:$0x1E080] =	vst v63  }
0x36: {  	_ = 	snop  }
0x37: {  	[tilespmem:s21], [sflag:$0x1] =	stream.indirect.gather [hbm4b:s4+s20], $0x80, s20, s20, $0xb8;
	[tilespmem:$0x1E080] =	vst v63  }
0x38: {  	_ =	swait.ge [sflag:s22], $0x4000  }
0x39: {  	[sflag:s22] =	ssyncset.done $0x0  }
0x3a: {  	s28 =	simm.s32 $0x1400;
	[sflag:s22] =	ssyncadd.s32 $0xFFFFC000  }
0x3b: {  	[spmem:s1] =	stream.indirect.scatter.add.f32 [tilespmem:s17], [sflag:$0x2], $0x80, s28, s20, $0xb8;
	[tilespmem:$0x1E080] =	vst v63  }
0x3c: {  	_ =	swait.ge [sflag:s22], $0x4000  }
0x3d: {  	[sflag:s22] =	ssyncset.done $0x0  }
0x3e: {  	s28 =	simm.s32 $0x1480;
	[sflag:s22] =	ssyncadd.s32 $0xFFFFC000  }
0x3f: {  	[spmem:s1] =	stream.indirect.scatter.add.f32 [tilespmem:s21], [sflag:$0x2], $0x80, s28, s20, $0xb8;
	[tilespmem:$0x1E080] =	vst v63  }
0x40: {  	_ =	swait.ge [sflag:s23], $0x4000  }
0x41: {  	[sflag:s23] =	ssyncset.done $0x0  }
0x42: {  	s28 =	simm.s32 $0x100;
	[sflag:s23] =	ssyncadd.s32 $0xFFFFC000  }
0x43: {  	[tilespmem:s17], [sflag:$0x1] =	stream.indirect.gather [hbm4b:s4+s20], $0x80, s28, s20, $0xb8;
	[tilespmem:$0x1E080] =	vst v63  }
0x44: {  	_ =	swait.ge [sflag:s23], $0x4000  }
0x45: {  	[sflag:s23] =	ssyncset.done $0x0  }
0x46: {  	s29 =	simm.s32 $0x180;
	s28 =	simm.s32 $0x400;
	[sflag:s23] =	ssyncadd.s32 $0xFFFFC000  }
.LBB2_2:
0x47: {  	[tilespmem:s21], [sflag:$0x1] =	stream.indirect.gather [hbm4b:s4+s20], $0x80, s29, s20, $0xb8;
	[tilespmem:$0x1E080] =	vst v63  }
0x48: {  	s29 =	smov.u32 s28  }
0x49: {  	p0 =	sne.s32 s28, $0x4800;
	s28 =	sadd.s32 $0x400, s28;
	_ =	swait.ge [sflag:s22], $0x4000  }
0x4a: {  	s29 =	sshra.s32 s29, $0x2;
	[sflag:s22] =	ssyncset.done $0x0  }
0x4b: {  	s30 =	sadd.s32 $0x1400, s29;
	[sflag:s22] =	ssyncadd.s32 $0xFFFFC000  }
0x4c: {  	[spmem:s1] =	stream.indirect.scatter.add.f32 [tilespmem:s17], [sflag:$0x2], $0x80, s30, s20, $0xb8;
	[tilespmem:$0x1E080] =	vst v63  }
0x4d: {  	_ =	swait.ge [sflag:s22], $0x4000  }
0x4e: {  	[sflag:s22] =	ssyncset.done $0x0  }
0x4f: {  	s30 =	sadd.s32 $0x1480, s29;
	[sflag:s22] =	ssyncadd.s32 $0xFFFFC000  }
0x50: {  	[spmem:s1] =	stream.indirect.scatter.add.f32 [tilespmem:s21], [sflag:$0x2], $0x80, s30, s20, $0xb8;
	[tilespmem:$0x1E080] =	vst v63  }
0x51: {  	_ =	swait.ge [sflag:s23], $0x4000  }
0x52: {  	[sflag:s23] =	ssyncset.done $0x0  }
.Ltmp0:
0x53: {  	s30 =	sadd.s32 $0x100, s29;
	[sflag:s23] =	ssyncadd.s32 $0xFFFFC000;
	(pc) =	sbr.rel @p0 .LBB2_2-.Ltmp0, $4  }
0x54: {  	[tilespmem:s17], [sflag:$0x1] =	stream.indirect.gather [hbm4b:s4+s20], $0x80, s30, s20, $0xb8;
	[tilespmem:$0x1E080] =	vst v63  }
0x55: {  	_ =	swait.ge [sflag:s23], $0x4000  }
0x56: {  	[sflag:s23] =	ssyncset.done $0x0  }
0x57: {  	s29 =	sadd.s32 $0x180, s29;
	[sflag:s23] =	ssyncadd.s32 $0xFFFFC000  }
0x58: {  	[tilespmem:s21], [sflag:$0x1] =	stream.indirect.gather [hbm4b:s4+s20], $0x80, s29, s20, $0xb8;
	[tilespmem:$0x1E080] =	vst v63  }
0x59: {  	_ =	swait.ge [sflag:s22], $0x4000  }
0x5a: {  	[sflag:s22] =	ssyncset.done $0x0  }
0x5b: {  	[sflag:s22] =	ssyncadd.s32 $0xFFFFC000  }
0x5c: {  	[spmem:s1] =	stream.indirect.scatter.add.f32 [tilespmem:s17], [sflag:$0x2], $0x80, s24, s20, $0xb8;
	[tilespmem:$0x1E080] =	vst v63  }
0x5d: {  	_ =	swait.ge [sflag:s22], $0x4000  }
0x5e: {  	[sflag:s22] =	ssyncset.done $0x0  }
0x5f: {  	[sflag:s22] =	ssyncadd.s32 $0xFFFFC000  }
0x60: {  	[spmem:s1] =	stream.indirect.scatter.add.f32 [tilespmem:s21], [sflag:$0x2], $0x80, s25, s20, $0xb8;
	[tilespmem:$0x1E080] =	vst v63  }
0x61: {  	_ =	swait.ge [sflag:s23], $0x4000  }
0x62: {  	[sflag:s23] =	ssyncset.done $0x0  }
0x63: {  	[sflag:s23] =	ssyncadd.s32 $0xFFFFC000  }
0x64: {  	_ =	swait.ge [sflag:s23], $0x4000  }
0x65: {  	[sflag:s23] =	ssyncset.done $0x0  }
0x66: {  	s28 =	simm.s32 $0x0;
	[sflag:s23] =	ssyncadd.s32 $0xFFFFC000  }
0x67: {  	[tilespmem:s28], [sflag:$0x3] =	stream.linear.gather [hbm4b:s15+s28], $0x1400, $0x38;
	[tilespmem:$0x1E080] =	vst v63  }
0x68: {  	_ =	swait.ge [sflag:s18], $0x1400  }
0x69: {  	[sflag:s18] =	ssyncset.done $0x0  }
0x6a: {  	[sflag:s18] =	ssyncadd.s32 $0xFFFFEC00  }
0x6b: {  	[tilespmem:s19], [sflag:$0x3] =	stream.linear.gather [hbm4b:s16+s28], $0x1400, $0x38;
	[tilespmem:$0x1E080] =	vst v63  }
0x6c: {  	_ =	swait.ge [sflag:s18], $0x1400  }
0x6d: {  	[sflag:s18] =	ssyncset.done $0x0  }
0x6e: {  	[sflag:s18] =	ssyncadd.s32 $0xFFFFEC00  }
0x6f: {  	[tilespmem:s17], [sflag:$0x1] =	stream.indirect.gather [hbm4b:s4+s20], $0x80, s28, s20, $0xb8;
	[tilespmem:$0x1E080] =	vst v63  }
0x70: {  	_ = 	snop  }
0x71: {  	[tilespmem:s21], [sflag:$0x1] =	stream.indirect.gather [hbm4b:s4+s20], $0x80, s20, s20, $0xb8;
	[tilespmem:$0x1E080] =	vst v63  }
0x72: {  	_ =	swait.ge [sflag:s22], $0x4000  }
0x73: {  	[sflag:s22] =	ssyncset.done $0x0  }
0x74: {  	s28 =	simm.s32 $0x1400;
	[sflag:s22] =	ssyncadd.s32 $0xFFFFC000  }
0x75: {  	[spmem:s1] =	stream.indirect.scatter.add.f32 [tilespmem:s17], [sflag:$0x2], $0x80, s28, s20, $0xb8;
	[tilespmem:$0x1E080] =	vst v63  }
0x76: {  	_ =	swait.ge [sflag:s22], $0x4000  }
0x77: {  	[sflag:s22] =	ssyncset.done $0x0  }
0x78: {  	s28 =	simm.s32 $0x1480;
	[sflag:s22] =	ssyncadd.s32 $0xFFFFC000  }
0x79: {  	[spmem:s1] =	stream.indirect.scatter.add.f32 [tilespmem:s21], [sflag:$0x2], $0x80, s28, s20, $0xb8;
	[tilespmem:$0x1E080] =	vst v63  }
0x7a: {  	_ =	swait.ge [sflag:s23], $0x4000  }
0x7b: {  	[sflag:s23] =	ssyncset.done $0x0  }
0x7c: {  	s28 =	simm.s32 $0x100;
	[sflag:s23] =	ssyncadd.s32 $0xFFFFC000  }
0x7d: {  	[tilespmem:s17], [sflag:$0x1] =	stream.indirect.gather [hbm4b:s4+s20], $0x80, s28, s20, $0xb8;
	[tilespmem:$0x1E080] =	vst v63  }
0x7e: {  	_ =	swait.ge [sflag:s23], $0x4000  }
0x7f: {  	[sflag:s23] =	ssyncset.done $0x0  }
0x80: {  	s29 =	simm.s32 $0x180;
	s28 =	simm.s32 $0x400;
	[sflag:s23] =	ssyncadd.s32 $0xFFFFC000  }
.LBB2_4:
0x81: {  	[tilespmem:s21], [sflag:$0x1] =	stream.indirect.gather [hbm4b:s4+s20], $0x80, s29, s20, $0xb8;
	[tilespmem:$0x1E080] =	vst v63  }
0x82: {  	s29 =	smov.u32 s28  }
0x83: {  	p0 =	sne.s32 s28, $0x4800;
	s28 =	sadd.s32 $0x400, s28;
	_ =	swait.ge [sflag:s22], $0x4000  }
0x84: {  	s29 =	sshra.s32 s29, $0x2;
	[sflag:s22] =	ssyncset.done $0x0  }
0x85: {  	s30 =	sadd.s32 $0x1400, s29;
	[sflag:s22] =	ssyncadd.s32 $0xFFFFC000  }
0x86: {  	[spmem:s1] =	stream.indirect.scatter.add.f32 [tilespmem:s17], [sflag:$0x2], $0x80, s30, s20, $0xb8;
	[tilespmem:$0x1E080] =	vst v63  }
0x87: {  	_ =	swait.ge [sflag:s22], $0x4000  }
0x88: {  	[sflag:s22] =	ssyncset.done $0x0  }
0x89: {  	s30 =	sadd.s32 $0x1480, s29;
	[sflag:s22] =	ssyncadd.s32 $0xFFFFC000  }
0x8a: {  	[spmem:s1] =	stream.indirect.scatter.add.f32 [tilespmem:s21], [sflag:$0x2], $0x80, s30, s20, $0xb8;
	[tilespmem:$0x1E080] =	vst v63  }
0x8b: {  	_ =	swait.ge [sflag:s23], $0x4000  }
0x8c: {  	[sflag:s23] =	ssyncset.done $0x0  }
.Ltmp1:
0x8d: {  	s30 =	sadd.s32 $0x100, s29;
	[sflag:s23] =	ssyncadd.s32 $0xFFFFC000;
	(pc) =	sbr.rel @p0 .LBB2_4-.Ltmp1, $4  }
0x8e: {  	[tilespmem:s17], [sflag:$0x1] =	stream.indirect.gather [hbm4b:s4+s20], $0x80, s30, s20, $0xb8;
	[tilespmem:$0x1E080] =	vst v63  }
0x8f: {  	_ =	swait.ge [sflag:s23], $0x4000  }
0x90: {  	[sflag:s23] =	ssyncset.done $0x0  }
0x91: {  	s29 =	sadd.s32 $0x180, s29;
	[sflag:s23] =	ssyncadd.s32 $0xFFFFC000  }
0x92: {  	[tilespmem:s21], [sflag:$0x1] =	stream.indirect.gather [hbm4b:s4+s20], $0x80, s29, s20, $0xb8;
	[tilespmem:$0x1E080] =	vst v63  }
0x93: {  	_ =	swait.ge [sflag:s22], $0x4000  }
0x94: {  	[sflag:s22] =	ssyncset.done $0x0  }
0x95: {  	[sflag:s22] =	ssyncadd.s32 $0xFFFFC000  }
0x96: {  	[spmem:s1] =	stream.indirect.scatter.add.f32 [tilespmem:s17], [sflag:$0x2], $0x80, s24, s20, $0xb8;
	[tilespmem:$0x1E080] =	vst v63  }
0x97: {  	_ =	swait.ge [sflag:s22], $0x4000  }
0x98: {  	[sflag:s22] =	ssyncset.done $0x0  }
0x99: {  	[sflag:s22] =	ssyncadd.s32 $0xFFFFC000  }
0x9a: {  	[spmem:s1] =	stream.indirect.scatter.add.f32 [tilespmem:s21], [sflag:$0x2], $0x80, s25, s20, $0xb8;
	[tilespmem:$0x1E080] =	vst v63  }
0x9b: {  	_ =	swait.ge [sflag:s23], $0x4000  }
0x9c: {  	[sflag:s23] =	ssyncset.done $0x0  }
0x9d: {  	[sflag:s23] =	ssyncadd.s32 $0xFFFFC000  }
0x9e: {  	_ =	swait.ge [sflag:s23], $0x4000  }
0x9f: {  	s28 =	sshll.u32 s3, $0x6;
	s26 =	sadd.s32 $0x1, s26;
	[sflag:s23] =	ssyncset.done $0x0  }
0xa0: {  	s31 =	sshrl.u32 s6, $0x3;
	p0 =	sne.s32 s26, s9;
	[sflag:s23] =	ssyncadd.s32 $0xFFFFC000  }
.Ltmp2:
0xa1: {  	s28 =	sor.u32 $0x1C03, s28;
	[bflag:$0x0] =	sbarrier.arrive $0xFFFF;
	(pc) =	sbr.rel @p0 .LBB2_1-.Ltmp2, $4  }
0xa2: {  	[hbm:s8], [sflag:s28] =	dma.local [spmem:s31], $0x2710  }
0xa3: {  	_ =	swait.ge [sflag:s18], $0x2710  }
0xa4: {  	[sflag:s18] =	ssyncset.done $0x0  }
0xa5: {  	[sflag:s18] =	ssyncadd.s32 $0xFFFFD8F0  }
0xa6: {  	_ =	sfence.sel $0x180000  }
0xa7: {  	[bflag:$0x0] =	sbarrier.arrive $0xFFFF  }
0xa8: {  	p0 =	sne.s32 s3, $0x0;
	_ =	strace $0x9000004A  }
0xa9: {  	s0 =	sadd.s32 @!p0 $0x100000, s0;
	[bflag:$0x2] =	sbarrier.arrive $0xFFFF  }
0xaa: {  	[sflag:s0] =	ssyncadd.tile.s32 @!p0 $0x1;
	_ =	shalt  }
.Lfunc_end2:
_tile_overlayer_lowered:
.L_overlay_start_2:
0xab: {  	(tag) =	ssettag $0x2  }
0xac: {  	s0 =	rddreg [dreg:$0x0];
	s2 =	stileid.u32  }
0xad: {  	s1 =	rddreg [dreg:$0x1];
	p0 =	sne.s32 s2, $0x0  }
0xae: {  	s3 =	rddreg [dreg:$0x2];
	[bflag:$0x3] =	sbarrier.arrive $0xFFFF;
	s2 =	simm.s32 @!p0 $0x1C03  }
0xaf: {  	[timem:s3], [sflag:s2] =	dma.local @!p0 [hbm:s0], s1  }
0xb0: {  	s0 =	simm.s32 @!p0 $0x3  }
0xb1: {  	_ =	swait.ge @!p0 [sflag:s0], s1  }
0xb2: {  	s1 =	ssub.s32 @!p0 $0x0, s1;
	[sflag:s0] =	ssyncset.done @!p0 $0x0  }
0xb3: {  	[sflag:s0] =	ssyncadd.s32 @!p0 s1  }
0xb4: {  	[bflag:$0x3] =	sbarrier.arrive $0xFFFF  }
0xb5: {  	_ =	shalt  }

// kernel: kernel.14.cloned.1.call-start
scs
__scs_entry_jumppad:
0x0: {  	(pc) =	sbr.rel $0x88, $3  }
0x1: {  	(tag) =	ssettag $0x0;
	lr =	simm.s32 $0x1  }
0x2: {  	[smem:$0x3F9A] =	sst lr;
	_ =	strace $0xD0000000  }
0x3: {  	_ = 	snop  }
0x4: {  	_ = 	snop  }
0x5: {  	_ = 	snop  }
0x6: {  	_ = 	snop  }
0x7: {  	_ = 	snop  }
__scs_overlays_trampoline_lowered:
0x8: {  	[smem:$0x3FA9] =	sst s0  }
0x9: {  	[smem:$0x3FAA] =	sst s1  }
0xa: {  	[smem:$0x3FAB] =	sst s2  }
0xb: {  	[smem:$0x3FAC] =	sst s3  }
0xc: {  	[smem:$0x3FAD] =	sst s4  }
0xd: {  	[smem:$0x3FAE] =	sst s5  }
0xe: {  	[smem:$0x3FAF] =	sst s6  }
0xf: {  	[smem:$0x3FB0] =	sst s7  }
0x10: {  	[smem:$0x3FB1] =	sst s8  }
0x11: {  	[smem:$0x3FB2] =	sst s9;
	s0 =	simm.s32 @!p0 $0x0  }
0x12: {  	s1 =	sld [smem:$0x3F98];
	s0 =	simm.s32 @p0 $0x1  }
0x13: {  	[smem:$0x3FB3] =	sst s0;
	s0 =	simm.s32 @!p1 $0x0  }
0x14: {  	s2 =	sld [smem:$0x3F97];
	s0 =	simm.s32 @p1 $0x1  }
0x15: {  	[smem:$0x3FB4] =	sst s0;
	s0 =	simm.s32 @!p2 $0x0  }
0x16: {  	s3 =	sld [smem:$0x3FDB];
	s0 =	simm.s32 @p2 $0x1  }
0x17: {  	s4 =	simm.s32 $0x1BF5;
	[smem:$0x3FB6] =	sst s0  }
0x18: {  	s0 =	sld [smem:$0x3F99];
	_ =	swait.ge [sflag:s4], $0x0  }
0x19: {  	s7 =	sld [smem:$0x3F9A]  }
0x1a: {  	s8 =	sadd.s32 $0xFFFFE003, lr  }
0x1b: {  	s9 =	sadd.s32 $0xFFFFFEF7, lr;
	s5 =	simm.s32 $0xFFFFFFFF;
	p2 =	slt.u32 s8, $0xFFFFF086  }
0x1c: {  	p1 =	slt.u32 s9, $0xF7A;
	s5 =	simm.s32 @!p2 $0x0  }
0x1d: {  	s5 =	simm.s32 @p1 $0x1;
	p0 =	seq.s32 s7, s2  }
0x1e: {  	s7 =	smul.u32 @!p0 $0xF7A, s2;
	p2 =	seq.s32 @!p0 s5, $0x0  }
0x1f: {  	s9 =	smul.u32 $0xF7A, s1;
	s8 =	simm.s32 @!p0 $0x1BF5;
	p2 =	por !p2, p0  }
0x20: {  	[sflag:s8] =	ssyncset.s32 @!p0 $0xFFFFF086;
	s6 =	sadd.s32 @!p0 s3, s7;
	s7 =	simm.s32 @!p0 $0x108  }
0x21: {  	s3 =	sadd.s32 s3, s9;
	s6 =	sadd.s32 @!p0 $0x88, s6;
	s7 =	simm.s32 @p2 $0x1082  }
0x22: {  	[simem:s7], [sflag:s8] =	dma.local @!p0 [hbm:s6], $0xF7A  }
0x23: {  	s9 =	sor.u32 $0xD0000000, s2;
	s6 =	simm.s32 $0x108;
	_ =	swait.ge @!p0 [sflag:s8], $0x0  }
0x24: {  	s3 =	sadd.s32 $0x88, s3;
	s6 =	simm.s32 @!p1 $0x1082;
	[sflag:s4] =	ssyncset.s32 $0xFFFFF086  }
0x25: {  	[simem:s6], [sflag:s4] =	dma.local [hbm:s3], $0xF7A  }
0x26: {  	[smem:$0x3F9A] =	sst s1;
	(tag) =	ssettag s2;
	_ =	strace s9  }
0x27: {  	s1 =	sld [smem:$0x3FAA]  }
0x28: {  	s2 =	sld [smem:$0x3FAB]  }
0x29: {  	s4 =	sld [smem:$0x3FAD]  }
0x2a: {  	p0 =	seq.s32 s5, $0x0;
	s5 =	sld [smem:$0x3FAE]  }
0x2b: {  	s6 =	sld [smem:$0x3FAF]  }
0x2c: {  	s7 =	sld [smem:$0x3FB0]  }
0x2d: {  	s3 =	simm.s32 $0x108;
	s8 =	sld [smem:$0x3FB1]  }
0x2e: {  	s3 =	simm.s32 @!p0 $0x1082;
	s9 =	sld [smem:$0x3FB2]  }
0x2f: {  	lr =	sadd.s32 s0, s3;
	s0 =	sld [smem:$0x3FA9]  }
0x30: {  	s3 =	sld [smem:$0x3FAC]  }
0x31: {  	[smem:$0x3FB5] =	sst s10  }
0x32: {  	s10 =	sld [smem:$0x3FB3];
	_ =	sdelay $0x3  }
0x33: {  	p0 =	seq.s32 s10, $0x1;
	s10 =	sld [smem:$0x3FB5];
	_ =	sdelay $0x3  }
0x34: {  	[smem:$0x3FB5] =	sst s10  }
0x35: {  	s10 =	sld [smem:$0x3FB4];
	_ =	sdelay $0x3  }
0x36: {  	p1 =	seq.s32 s10, $0x1;
	s10 =	sld [smem:$0x3FB5];
	_ =	sdelay $0x3  }
0x37: {  	[smem:$0x3FB5] =	sst s10  }
0x38: {  	s10 =	sld [smem:$0x3FB6]  }
0x39: {  	_ = 	snop;
	(pc) =	sbr.ind lr, $3  }
0x3a: {  	_ = 	snop  }
0x3b: {  	_ = 	snop  }
0x3c: {  	p2 =	seq.s32 s10, $0x1;
	s10 =	sld [smem:$0x3FB5]  }
0x3d: {  	_ =	shalt  }
0x3e: {  	_ =	shalt  }
0x3f: {  	_ =	shalt  }
0x40: {  	_ =	shalt  }
0x41: {  	_ =	shalt  }
0x42: {  	_ =	shalt  }
0x43: {  	_ =	shalt  }
0x44: {  	_ =	shalt  }
0x45: {  	_ =	shalt  }
0x46: {  	_ =	shalt  }
0x47: {  	_ =	shalt  }
0x48: {  	_ =	shalt  }
0x49: {  	_ =	shalt  }
0x4a: {  	_ =	shalt  }
0x4b: {  	_ =	shalt  }
0x4c: {  	_ =	shalt  }
0x4d: {  	_ =	shalt  }
0x4e: {  	_ =	shalt  }
0x4f: {  	_ =	shalt  }
0x50: {  	_ =	shalt  }
0x51: {  	_ =	shalt  }
0x52: {  	_ =	shalt  }
0x53: {  	_ =	shalt  }
0x54: {  	_ =	shalt  }
0x55: {  	_ =	shalt  }
0x56: {  	_ =	shalt  }
0x57: {  	_ =	shalt  }
0x58: {  	_ =	shalt  }
0x59: {  	_ =	shalt  }
0x5a: {  	_ =	shalt  }
0x5b: {  	_ =	shalt  }
0x5c: {  	_ =	shalt  }
0x5d: {  	_ =	shalt  }
0x5e: {  	_ =	shalt  }
0x5f: {  	_ =	shalt  }
0x60: {  	_ =	shalt  }
0x61: {  	_ =	shalt  }
0x62: {  	_ =	shalt  }
0x63: {  	_ =	shalt  }
0x64: {  	_ =	shalt  }
0x65: {  	_ =	shalt  }
0x66: {  	_ =	shalt  }
0x67: {  	_ =	shalt  }
0x68: {  	_ =	shalt  }
0x69: {  	_ =	shalt  }
0x6a: {  	_ =	shalt  }
0x6b: {  	_ =	shalt  }
0x6c: {  	_ =	shalt  }
0x6d: {  	_ =	shalt  }
0x6e: {  	_ =	shalt  }
0x6f: {  	_ =	shalt  }
0x70: {  	_ =	shalt  }
0x71: {  	_ =	shalt  }
0x72: {  	_ =	shalt  }
0x73: {  	_ =	shalt  }
0x74: {  	_ =	shalt  }
0x75: {  	_ =	shalt  }
0x76: {  	_ =	shalt  }
0x77: {  	_ =	shalt  }
0x78: {  	_ =	shalt  }
0x79: {  	_ =	shalt  }
0x7a: {  	_ =	shalt  }
0x7b: {  	_ =	shalt  }
0x7c: {  	_ =	shalt  }
0x7d: {  	_ =	shalt  }
0x7e: {  	_ =	shalt  }
0x7f: {  	_ =	shalt  }
0x80: {  	_ =	shalt  }
0x81: {  	_ =	shalt  }
0x82: {  	_ =	shalt  }
0x83: {  	_ =	shalt  }
0x84: {  	_ =	shalt  }
0x85: {  	_ =	shalt  }
0x86: {  	_ =	shalt  }
0x87: {  	_ =	shalt  }
.Lfunc_end0:
.L_simem_size_0:
called_computation.2_lowered:
.L_overlay_start_0:
0x88: {  	s2 =	sld [smem:$0x3FD9]  }
0x89: {  	s3 =	sld [smem:$0x3FFE];
	_ =	sdelay $0x1  }
0x8a: {  	s1 =	srdreg.scid  }
0x8b: {  	s0 =	sand.u32 $0x1, s1  }
0x8c: {  	s17 =	sshll.u32 s0, $0xA;
	s2 =	sadd.s32 s3, s2  }
0x8d: {  	s2 =	sadd.s32 s2, s17  }
0x8e: {  	[smem:$0x3FC1] =	sst s2  }
0x8f: {  	_ = 	snop  }
0x90: {  	s2 =	sld [smem:$0x3FD0];
	(tm) =	ssettm $0x1  }
0x91: {  	s18 =	sld [smem:$0x3FFB];
	_ =	sdelay $0x3  }
0x92: {  	_ =	strace s18  }
0x93: {  	s3 =	sld [smem:$0x3FFC];
	_ =	sdelay $0x3  }
0x94: {  	_ =	strace s3  }
0x95: {  	s3 =	sld [smem:$0x3FFD];
	_ =	sdelay $0x3  }
0x96: {  	_ =	strace s3  }
0x97: {  	_ =	strace $0x8FFFFFFF  }
0x98: {  	s19 =	sld [smem:$0x3FDB];
	_ =	sdelay $0x1  }
0x99: {  	s4 =	simm.s32 $_scs_section_size  }
0x9a: {  	s5 =	simm.s32 $_size__tile_overlayer_lowered;
	s6 =	simm.s32 $_tile_overlayer_lowered  }
0x9b: {  	s22 =	simm.s32 $0x1BFF;
	s21 =	sshll.u32 s6, $0x1;
	s3 =	sadd.s32 s4, s19  }
0x9c: {  	s7 =	simm.s32 $0x0;
	s20 =	sshll.u32 s5, $0x1;
	s5 =	sadd.s32 s21, s3  }
0x9d: {  	[timem:s7], [sflag:s22] =	dma.local [hbm:s5], s20  }
0x9e: {  	_ =	swait.ge [sflag:s22], s20  }
0x9f: {  	s4 =	ssub.s32 $0x0, s20;
	[sflag:s22] =	ssyncset.done $0x0  }
0xa0: {  	[sflag:s22] =	ssyncadd.s32 s4;
	_ =	sdelay $0x1  }
0xa1: {  	s23 =	simm.s32 $0x1B8B  }
0xa2: {  	_ =	swait.ge [sflag:s23], $0x1  }
0xa3: {  	[sflag:s23] =	ssyncset.done $0x0  }
0xa4: {  	s25 =	simm.s32 $0x1B8E;
	s24 =	sld [smem:$0x3FFE];
	[sflag:s23] =	ssyncadd.s32 $0xFFFFFFFF  }
0xa5: {  	s26 =	simm.s32 $execute0_lowered;
	[smem:$0x3FD2] =	sst s25  }
0xa6: {  	s5 =	sshll.u32 s26, $0x1;
	_ =	strace $0x8000004C;
	[dreg:$0x1] =	wrdreg $0xFFFFFFFF  }
0xa7: {  	s28 =	simm.s32 $_size_execute0_lowered;
	s3 =	sadd.s32 s3, s5;
	[dreg:$0x0] =	wrdreg $0x0  }
0xa8: {  	s5 =	sshll.u32 s28, $0x1;
	[dreg:$0x2] =	wrdreg s3  }
0xa9: {  	[dreg:$0x3] =	wrdreg s5  }
0xaa: {  	[dreg:$0x4] =	wrdreg $0xC0  }
0xab: {  	_ =	task [dreg:s7], $0x5FFFF  }
0xac: {  	[dreg:$0x1] =	wrdreg $0xFFFFFFFF  }
0xad: {  	[dreg:$0x0] =	wrdreg $0x60  }
0xae: {  	[dreg:$0x2] =	wrdreg s24  }
0xaf: {  	[dreg:$0x3] =	wrdreg s2  }
0xb0: {  	[dreg:$0x4] =	wrdreg $0xA8000  }
0xb1: {  	[dreg:$0x5] =	wrdreg $0x9  }
0xb2: {  	_ =	task.clear_ibuf [dreg:s7], $0x6FFFF;
	_ =	strace $0x9000004C  }
0xb3: {  	s29 =	simm.s32 $0x9;
	_ =	strace $0x8000004E  }
0xb4: {  	_ =	swait.ge [sflag:s29], $0x1  }
0xb5: {  	[sflag:s29] =	ssyncadd.s32 $0xFFFFFFFF  }
0xb6: {  	_ =	strace $0x9000004E  }
0xb7: {  	_ =	sfence  }
0xb8: {  	s30 =	sld [smem:$0x0];
	_ =	sdelay $0x2  }
0xb9: {  	s31 =	sshll.u32 s1, $0xD;
	s1 =	sshrl.u32 s1, $0x2  }
0xba: {  	s3 =	sand.u32 $0x4000, s31;
	s1 =	sadd.s32 s1, s30  }
0xbb: {  	s0 =	sor.u32 s3, s0;
	s1 =	sshll.u32 s1, $0x11  }
0xbc: {  	s0 =	sor.u32 s1, s0  }
0xbd: {  	s0 =	sadd.s32 $0x8F2B, s0  }
0xbe: {  	[sflag:s0] =	ssyncadd.remote.s32 $0x1  }
0xbf: {  	_ =	sfence.sel $0xFFFF  }
0xc0: {  	[dreg:$0x0] =	wrdreg $0xFFFFFFFF;
	(pc) =	sbr.abs _section_cstart, $3  }
0xc1: {  	[dreg:$0x1] =	wrdreg $0xFFFFFFFF  }
0xc2: {  	_ =	task.clear_ibuf [dreg:s7], $0x2FFFF;
	_ =	strace $0x9FFFFFFF  }
0xc3: {  	(tm) =	ssettm $0x7FFFFFFF  }
tec
execute0_lowered:
.L_overlay_start_1:
0x0: {  	(tag) =	ssettag $0x1  }
0x1: {  	s0 =	rddreg [dreg:$0x0]  }
0x2: {  	s12 =	rddreg [dreg:$0x1]  }
0x3: {  	s1 =	rddreg [dreg:$0x2];
	s3 =	simm.s32 $0x0;
	s5 =	srdreg.scid  }
0x4: {  	s2 =	stileid.u32;
	s17 =	simm.s32 $0x2800;
	s18 =	simm.s32 $0x3  }
0x5: {  	s19 =	simm.s32 $0x1400;
	s20 =	simm.s32 $0x80;
	s21 =	simm.s32 $0x6800  }
0x6: {  	s22 =	simm.s32 $0x1;
	s23 =	simm.s32 $0x2;
	s24 =	simm.s32 $0x2700  }
0x7: {  	s26 =	simm.s32 $0x2780;
	s29 =	simm.s32 $0x0;
	[smem:$0x7FF] =	sst s3  }
0x8: {  	s4 =	sadd.s32 $0xD1600, s0;
	s11 =	sand.u32 $0x1, s5;
	s7 =	smul.u32 $0x4E200, s2  }
0x9: {  	s5 =	sadd.s32 $0x6F400, s0;
	s6 =	sadd.s32 $0xD000, s0;
	s13 =	smul.u32 $0x13880, s2  }
0xa: {  	s31 =	sshll.u32 s2, $0x6;
	_ =	strace $0x8000004D;
	s10 =	smul.u32 $0x138800, s11  }
0xb: {  	s9 =	ssub.s32 $0x2, s11;
	s11 =	smul.u32 $0x50000, s11;
	s25 =	sor.u32 $0x1C03, s31  }
0xc: {  	s8 =	sshrl.u32 s7, $0x2;
	s7 =	sadd.s32 $0x2A00, s0;
	s30 =	sshrl.u32 s9, $0x1  }
0xd: {  	s8 =	sadd.s32 s8, s1;
	s0 =	ssub.s32 s9, s30;
	s13 =	sadd.s32 s13, s10  }
0xe: {  	s10 =	sshll.u32 s2, $0x2;
	s9 =	sadd.s32 $0x10000, s8;
	s13 =	sshrl.u32 s13, $0x3  }
0xf: {  	s14 =	sadd.s32 $0x4000, s8;
	s15 =	sadd.s32 $0x8000, s8;
	s16 =	sadd.s32 $0xC000, s8  }
0x10: {  	s28 =	sshrl.u32 s8, $0x3;
	s12 =	sadd.s32 s12, s13;
	s13 =	smax.u32 s0, $0x1  }
.LBB2_1:
0x11: {  	[tilespmem:s17], [sflag:$0x3] =	stream.linear.gather [hbm4b:s7+s3], $0x4000, $0x38;
	[tilespmem:$0x1E080] =	vst v63  }
0x12: {  	_ =	swait.ge [sflag:s18], $0x4000  }
0x13: {  	[sflag:s18] =	ssyncset.done $0x0  }
0x14: {  	[sflag:s18] =	ssyncadd.s32 $0xFFFFC000  }
0x15: {  	[spmem:s8] =	stream.linear.scatter [tilespmem:s17], [sflag:$0x3], $0x4000, $0x38;
	[tilespmem:$0x1E080] =	vst v63  }
0x16: {  	_ =	swait.ge [sflag:s18], $0x4000  }
0x17: {  	[sflag:s18] =	ssyncset.done $0x0  }
0x18: {  	[sflag:s18] =	ssyncadd.s32 $0xFFFFC000  }
0x19: {  	[spmem:s14] =	stream.linear.scatter [tilespmem:s17], [sflag:$0x3], $0x4000, $0x38;
	[tilespmem:$0x1E080] =	vst v63  }
0x1a: {  	_ =	swait.ge [sflag:s18], $0x4000  }
0x1b: {  	[sflag:s18] =	ssyncset.done $0x0  }
0x1c: {  	[sflag:s18] =	ssyncadd.s32 $0xFFFFC000  }
0x1d: {  	[spmem:s15] =	stream.linear.scatter [tilespmem:s17], [sflag:$0x3], $0x4000, $0x38;
	[tilespmem:$0x1E080] =	vst v63  }
0x1e: {  	_ =	swait.ge [sflag:s18], $0x4000  }
0x1f: {  	[sflag:s18] =	ssyncset.done $0x0  }
0x20: {  	[sflag:s18] =	ssyncadd.s32 $0xFFFFC000  }
0x21: {  	[spmem:s16] =	stream.linear.scatter [tilespmem:s17], [sflag:$0x3], $0x4000, $0x38;
	[tilespmem:$0x1E080] =	vst v63  }
0x22: {  	_ =	swait.ge [sflag:s18], $0x4000  }
0x23: {  	[sflag:s18] =	ssyncset.done $0x0  }
0x24: {  	[sflag:s18] =	ssyncadd.s32 $0xFFFFC000  }
0x25: {  	[spmem:s9] =	stream.linear.scatter [tilespmem:s17], [sflag:$0x3], $0x3880, $0x38;
	[tilespmem:$0x1E080] =	vst v63  }
0x26: {  	_ =	swait.ge [sflag:s18], $0x3880  }
0x27: {  	[sflag:s18] =	ssyncset.done $0x0  }
0x28: {  	[sflag:s18] =	ssyncadd.s32 $0xFFFFC780  }
0x29: {  	s30 =	simm.s32 $0x0;
	[bflag:$0x0] =	sbarrier.arrive $0xFFFF  }
.LBB2_2:
0x2a: {  	s0 =	sadd.s32 s10, s30  }
0x2b: {  	s0 =	smul.u32 $0x1400, s0;
	_ =	sdelay $0x1  }
0x2c: {  	s31 =	sadd.s32 s11, s0  }
0x2d: {  	s31 =	sshrl.u32 s31, $0x3  }
0x2e: {  	s2 =	simm.s32 $0x0;
	s31 =	sadd.s32 s5, s31  }
0x2f: {  	[tilespmem:s2], [sflag:$0x3] =	stream.linear.gather [hbm4b:s31+s2], $0x1400, $0x38;
	[tilespmem:$0x1E080] =	vst v63  }
0x30: {  	_ =	swait.ge [sflag:s18], $0x1400  }
0x31: {  	s0 =	sshrl.u32 s0, $0x3;
	[sflag:s18] =	ssyncset.done $0x0  }
0x32: {  	s0 =	sadd.s32 s6, s0;
	[sflag:s18] =	ssyncadd.s32 $0xFFFFEC00  }
0x33: {  	[tilespmem:s19], [sflag:$0x3] =	stream.linear.gather [hbm4b:s0+s2], $0x1400, $0x38;
	[tilespmem:$0x1E080] =	vst v63  }
0x34: {  	_ =	swait.ge [sflag:s18], $0x1400  }
0x35: {  	[sflag:s18] =	ssyncset.done $0x0  }
0x36: {  	[sflag:s18] =	ssyncadd.s32 $0xFFFFEC00  }
0x37: {  	[tilespmem:s17], [sflag:$0x1] =	stream.indirect.gather [hbm4b:s4+s20], $0x80, s2, s20, $0xb8;
	[tilespmem:$0x1E080] =	vst v63  }
0x38: {  	_ = 	snop  }
0x39: {  	[tilespmem:s21], [sflag:$0x1] =	stream.indirect.gather [hbm4b:s4+s20], $0x80, s20, s20, $0xb8;
	[tilespmem:$0x1E080] =	vst v63  }
0x3a: {  	_ =	swait.ge [sflag:s22], $0x4000  }
0x3b: {  	[sflag:s22] =	ssyncset.done $0x0  }
0x3c: {  	s2 =	simm.s32 $0x1400;
	[sflag:s22] =	ssyncadd.s32 $0xFFFFC000  }
0x3d: {  	[spmem:s1] =	stream.indirect.scatter.add.f32 [tilespmem:s17], [sflag:$0x2], $0x80, s2, s20, $0xb8;
	[tilespmem:$0x1E080] =	vst v63  }
0x3e: {  	_ =	swait.ge [sflag:s22], $0x4000  }
0x3f: {  	[sflag:s22] =	ssyncset.done $0x0  }
0x40: {  	s2 =	simm.s32 $0x1480;
	[sflag:s22] =	ssyncadd.s32 $0xFFFFC000  }
0x41: {  	[spmem:s1] =	stream.indirect.scatter.add.f32 [tilespmem:s21], [sflag:$0x2], $0x80, s2, s20, $0xb8;
	[tilespmem:$0x1E080] =	vst v63  }
0x42: {  	_ =	swait.ge [sflag:s23], $0x4000  }
0x43: {  	[sflag:s23] =	ssyncset.done $0x0  }
0x44: {  	s2 =	simm.s32 $0x100;
	[sflag:s23] =	ssyncadd.s32 $0xFFFFC000  }
0x45: {  	[tilespmem:s17], [sflag:$0x1] =	stream.indirect.gather [hbm4b:s4+s20], $0x80, s2, s20, $0xb8;
	[tilespmem:$0x1E080] =	vst v63  }
0x46: {  	_ =	swait.ge [sflag:s23], $0x4000  }
0x47: {  	[sflag:s23] =	ssyncset.done $0x0  }
0x48: {  	s31 =	simm.s32 $0x400;
	s0 =	simm.s32 $0x180;
	[sflag:s23] =	ssyncadd.s32 $0xFFFFC000  }
.LBB2_3:
0x49: {  	[tilespmem:s21], [sflag:$0x1] =	stream.indirect.gather [hbm4b:s4+s20], $0x80, s0, s20, $0xb8;
	[tilespmem:$0x1E080] =	vst v63  }
0x4a: {  	s0 =	smov.u32 s31  }
0x4b: {  	p0 =	sne.s32 s31, $0x4800;
	s31 =	sadd.s32 $0x400, s31;
	_ =	swait.ge [sflag:s22], $0x4000  }
0x4c: {  	s0 =	sshra.s32 s0, $0x2;
	[sflag:s22] =	ssyncset.done $0x0  }
0x4d: {  	s2 =	sadd.s32 $0x1400, s0;
	[sflag:s22] =	ssyncadd.s32 $0xFFFFC000  }
0x4e: {  	[spmem:s1] =	stream.indirect.scatter.add.f32 [tilespmem:s17], [sflag:$0x2], $0x80, s2, s20, $0xb8;
	[tilespmem:$0x1E080] =	vst v63  }
0x4f: {  	_ =	swait.ge [sflag:s22], $0x4000  }
0x50: {  	[sflag:s22] =	ssyncset.done $0x0  }
0x51: {  	s2 =	sadd.s32 $0x1480, s0;
	[sflag:s22] =	ssyncadd.s32 $0xFFFFC000  }
0x52: {  	[spmem:s1] =	stream.indirect.scatter.add.f32 [tilespmem:s21], [sflag:$0x2], $0x80, s2, s20, $0xb8;
	[tilespmem:$0x1E080] =	vst v63  }
0x53: {  	_ =	swait.ge [sflag:s23], $0x4000  }
0x54: {  	[sflag:s23] =	ssyncset.done $0x0  }
.Ltmp0:
0x55: {  	s2 =	sadd.s32 $0x100, s0;
	[sflag:s23] =	ssyncadd.s32 $0xFFFFC000;
	(pc) =	sbr.rel @p0 .LBB2_3-.Ltmp0, $4  }
0x56: {  	[tilespmem:s17], [sflag:$0x1] =	stream.indirect.gather [hbm4b:s4+s20], $0x80, s2, s20, $0xb8;
	[tilespmem:$0x1E080] =	vst v63  }
0x57: {  	_ =	swait.ge [sflag:s23], $0x4000  }
0x58: {  	[sflag:s23] =	ssyncset.done $0x0  }
0x59: {  	s0 =	sadd.s32 $0x180, s0;
	[sflag:s23] =	ssyncadd.s32 $0xFFFFC000  }
0x5a: {  	[tilespmem:s21], [sflag:$0x1] =	stream.indirect.gather [hbm4b:s4+s20], $0x80, s0, s20, $0xb8;
	[tilespmem:$0x1E080] =	vst v63  }
0x5b: {  	_ =	swait.ge [sflag:s22], $0x4000  }
0x5c: {  	[sflag:s22] =	ssyncset.done $0x0  }
0x5d: {  	[sflag:s22] =	ssyncadd.s32 $0xFFFFC000  }
0x5e: {  	[spmem:s1] =	stream.indirect.scatter.add.f32 [tilespmem:s17], [sflag:$0x2], $0x80, s24, s20, $0xb8;
	[tilespmem:$0x1E080] =	vst v63  }
0x5f: {  	_ =	swait.ge [sflag:s22], $0x4000  }
0x60: {  	[sflag:s22] =	ssyncset.done $0x0  }
0x61: {  	s30 =	sadd.s32 $0x1, s30;
	[sflag:s22] =	ssyncadd.s32 $0xFFFFC000  }
0x62: {  	[spmem:s1] =	stream.indirect.scatter.add.f32 [tilespmem:s21], [sflag:$0x2], $0x80, s26, s20, $0xb8;
	[tilespmem:$0x1E080] =	vst v63  }
0x63: {  	p0 =	sne.s32 s30, $0x4;
	_ =	swait.ge [sflag:s23], $0x4000  }
.Ltmp1:
0x64: {  	[sflag:s23] =	ssyncset.done $0x0;
	(pc) =	sbr.rel @p0 .LBB2_2-.Ltmp1, $4  }
0x65: {  	[sflag:s23] =	ssyncadd.s32 $0xFFFFC000  }
0x66: {  	_ =	swait.ge [sflag:s23], $0x4000  }
0x67: {  	[sflag:s23] =	ssyncset.done $0x0  }
0x68: {  	[sflag:s23] =	ssyncadd.s32 $0xFFFFC000  }
0x69: {  	s29 =	sadd.s32 $0x1, s29  }
0x6a: {  	p0 =	sne.s32 s29, s13  }
.Ltmp2:
0x6b: {  	[bflag:$0x0] =	sbarrier.arrive $0xFFFF;
	(pc) =	sbr.rel @p0 .LBB2_1-.Ltmp2, $4  }
0x6c: {  	[hbm:s12], [sflag:s25] =	dma.local [spmem:s28], $0x2710  }
0x6d: {  	_ =	swait.ge [sflag:s18], $0x2710  }
0x6e: {  	[sflag:s18] =	ssyncset.done $0x0  }
0x6f: {  	[sflag:s18] =	ssyncadd.s32 $0xFFFFD8F0  }
0x70: {  	_ =	sfence.sel $0x180000  }
0x71: {  	[bflag:$0x0] =	sbarrier.arrive $0xFFFF  }
0x72: {  	_ =	strace $0x9000004D  }
0x73: {  	s0 =	stileid.u32;
	[bflag:$0x2] =	sbarrier.arrive $0xFFFF  }
0x74: {  	p0 =	sne.s32 s0, $0x0;
	s0 =	rddreg [dreg:$0x3]  }
0x75: {  	s0 =	sadd.s32 @!p0 $0x100000, s0  }
0x76: {  	[sflag:s0] =	ssyncadd.tile.s32 @!p0 $0x1;
	_ =	shalt  }
.Lfunc_end2:
_tile_overlayer_lowered:
.L_overlay_start_2:
0x77: {  	(tag) =	ssettag $0x2  }
0x78: {  	s0 =	rddreg [dreg:$0x0];
	s2 =	stileid.u32  }
0x79: {  	s1 =	rddreg [dreg:$0x1];
	p0 =	sne.s32 s2, $0x0  }
0x7a: {  	s3 =	rddreg [dreg:$0x2];
	[bflag:$0x3] =	sbarrier.arrive $0xFFFF;
	s2 =	simm.s32 @!p0 $0x1C03  }
0x7b: {  	[timem:s3], [sflag:s2] =	dma.local @!p0 [hbm:s0], s1  }
0x7c: {  	s0 =	simm.s32 @!p0 $0x3  }
0x7d: {  	_ =	swait.ge @!p0 [sflag:s0], s1  }
0x7e: {  	s1 =	ssub.s32 @!p0 $0x0, s1;
	[sflag:s0] =	ssyncset.done @!p0 $0x0  }
0x7f: {  	[sflag:s0] =	ssyncadd.s32 @!p0 s1  }
0x80: {  	[bflag:$0x3] =	sbarrier.arrive $0xFFFF  }
0x81: {  	_ =	shalt  }

// kernel: kernel.8.cloned.1.call-start
scs
__scs_entry_jumppad:
0x0: {  	(pc) =	sbr.rel $0x88, $3  }
0x1: {  	(tag) =	ssettag $0x0;
	lr =	simm.s32 $0x1  }
0x2: {  	[smem:$0x3F9A] =	sst lr;
	_ =	strace $0xD0000000  }
0x3: {  	_ = 	snop  }
0x4: {  	_ = 	snop  }
0x5: {  	_ = 	snop  }
0x6: {  	_ = 	snop  }
0x7: {  	_ = 	snop  }
__scs_overlays_trampoline_lowered:
0x8: {  	[smem:$0x3FA9] =	sst s0  }
0x9: {  	[smem:$0x3FAA] =	sst s1  }
0xa: {  	[smem:$0x3FAB] =	sst s2  }
0xb: {  	[smem:$0x3FAC] =	sst s3  }
0xc: {  	[smem:$0x3FAD] =	sst s4  }
0xd: {  	[smem:$0x3FAE] =	sst s5  }
0xe: {  	[smem:$0x3FAF] =	sst s6  }
0xf: {  	[smem:$0x3FB0] =	sst s7  }
0x10: {  	[smem:$0x3FB1] =	sst s8  }
0x11: {  	[smem:$0x3FB2] =	sst s9;
	s0 =	simm.s32 @!p0 $0x0  }
0x12: {  	s1 =	sld [smem:$0x3F98];
	s0 =	simm.s32 @p0 $0x1  }
0x13: {  	[smem:$0x3FB3] =	sst s0;
	s0 =	simm.s32 @!p1 $0x0  }
0x14: {  	s2 =	sld [smem:$0x3F97];
	s0 =	simm.s32 @p1 $0x1  }
0x15: {  	[smem:$0x3FB4] =	sst s0;
	s0 =	simm.s32 @!p2 $0x0  }
0x16: {  	s3 =	sld [smem:$0x3FDB];
	s0 =	simm.s32 @p2 $0x1  }
0x17: {  	s4 =	simm.s32 $0x1BF5;
	[smem:$0x3FB6] =	sst s0  }
0x18: {  	s0 =	sld [smem:$0x3F99];
	_ =	swait.ge [sflag:s4], $0x0  }
0x19: {  	s7 =	sld [smem:$0x3F9A]  }
0x1a: {  	s8 =	sadd.s32 $0xFFFFE003, lr  }
0x1b: {  	s9 =	sadd.s32 $0xFFFFFEF7, lr;
	s5 =	simm.s32 $0xFFFFFFFF;
	p2 =	slt.u32 s8, $0xFFFFF086  }
0x1c: {  	p1 =	slt.u32 s9, $0xF7A;
	s5 =	simm.s32 @!p2 $0x0  }
0x1d: {  	s5 =	simm.s32 @p1 $0x1;
	p0 =	seq.s32 s7, s2  }
0x1e: {  	s7 =	smul.u32 @!p0 $0xF7A, s2;
	p2 =	seq.s32 @!p0 s5, $0x0  }
0x1f: {  	s9 =	smul.u32 $0xF7A, s1;
	s8 =	simm.s32 @!p0 $0x1BF5;
	p2 =	por !p2, p0  }
0x20: {  	[sflag:s8] =	ssyncset.s32 @!p0 $0xFFFFF086;
	s6 =	sadd.s32 @!p0 s3, s7;
	s7 =	simm.s32 @!p0 $0x108  }
0x21: {  	s3 =	sadd.s32 s3, s9;
	s6 =	sadd.s32 @!p0 $0x88, s6;
	s7 =	simm.s32 @p2 $0x1082  }
0x22: {  	[simem:s7], [sflag:s8] =	dma.local @!p0 [hbm:s6], $0xF7A  }
0x23: {  	s9 =	sor.u32 $0xD0000000, s2;
	s6 =	simm.s32 $0x108;
	_ =	swait.ge @!p0 [sflag:s8], $0x0  }
0x24: {  	s3 =	sadd.s32 $0x88, s3;
	s6 =	simm.s32 @!p1 $0x1082;
	[sflag:s4] =	ssyncset.s32 $0xFFFFF086  }
0x25: {  	[simem:s6], [sflag:s4] =	dma.local [hbm:s3], $0xF7A  }
0x26: {  	[smem:$0x3F9A] =	sst s1;
	(tag) =	ssettag s2;
	_ =	strace s9  }
0x27: {  	s1 =	sld [smem:$0x3FAA]  }
0x28: {  	s2 =	sld [smem:$0x3FAB]  }
0x29: {  	s4 =	sld [smem:$0x3FAD]  }
0x2a: {  	p0 =	seq.s32 s5, $0x0;
	s5 =	sld [smem:$0x3FAE]  }
0x2b: {  	s6 =	sld [smem:$0x3FAF]  }
0x2c: {  	s7 =	sld [smem:$0x3FB0]  }
0x2d: {  	s3 =	simm.s32 $0x108;
	s8 =	sld [smem:$0x3FB1]  }
0x2e: {  	s3 =	simm.s32 @!p0 $0x1082;
	s9 =	sld [smem:$0x3FB2]  }
0x2f: {  	lr =	sadd.s32 s0, s3;
	s0 =	sld [smem:$0x3FA9]  }
0x30: {  	s3 =	sld [smem:$0x3FAC]  }
0x31: {  	[smem:$0x3FB5] =	sst s10  }
0x32: {  	s10 =	sld [smem:$0x3FB3];
	_ =	sdelay $0x3  }
0x33: {  	p0 =	seq.s32 s10, $0x1;
	s10 =	sld [smem:$0x3FB5];
	_ =	sdelay $0x3  }
0x34: {  	[smem:$0x3FB5] =	sst s10  }
0x35: {  	s10 =	sld [smem:$0x3FB4];
	_ =	sdelay $0x3  }
0x36: {  	p1 =	seq.s32 s10, $0x1;
	s10 =	sld [smem:$0x3FB5];
	_ =	sdelay $0x3  }
0x37: {  	[smem:$0x3FB5] =	sst s10  }
0x38: {  	s10 =	sld [smem:$0x3FB6]  }
0x39: {  	_ = 	snop;
	(pc) =	sbr.ind lr, $3  }
0x3a: {  	_ = 	snop  }
0x3b: {  	_ = 	snop  }
0x3c: {  	p2 =	seq.s32 s10, $0x1;
	s10 =	sld [smem:$0x3FB5]  }
0x3d: {  	_ =	shalt  }
0x3e: {  	_ =	shalt  }
0x3f: {  	_ =	shalt  }
0x40: {  	_ =	shalt  }
0x41: {  	_ =	shalt  }
0x42: {  	_ =	shalt  }
0x43: {  	_ =	shalt  }
0x44: {  	_ =	shalt  }
0x45: {  	_ =	shalt  }
0x46: {  	_ =	shalt  }
0x47: {  	_ =	shalt  }
0x48: {  	_ =	shalt  }
0x49: {  	_ =	shalt  }
0x4a: {  	_ =	shalt  }
0x4b: {  	_ =	shalt  }
0x4c: {  	_ =	shalt  }
0x4d: {  	_ =	shalt  }
0x4e: {  	_ =	shalt  }
0x4f: {  	_ =	shalt  }
0x50: {  	_ =	shalt  }
0x51: {  	_ =	shalt  }
0x52: {  	_ =	shalt  }
0x53: {  	_ =	shalt  }
0x54: {  	_ =	shalt  }
0x55: {  	_ =	shalt  }
0x56: {  	_ =	shalt  }
0x57: {  	_ =	shalt  }
0x58: {  	_ =	shalt  }
0x59: {  	_ =	shalt  }
0x5a: {  	_ =	shalt  }
0x5b: {  	_ =	shalt  }
0x5c: {  	_ =	shalt  }
0x5d: {  	_ =	shalt  }
0x5e: {  	_ =	shalt  }
0x5f: {  	_ =	shalt  }
0x60: {  	_ =	shalt  }
0x61: {  	_ =	shalt  }
0x62: {  	_ =	shalt  }
0x63: {  	_ =	shalt  }
0x64: {  	_ =	shalt  }
0x65: {  	_ =	shalt  }
0x66: {  	_ =	shalt  }
0x67: {  	_ =	shalt  }
0x68: {  	_ =	shalt  }
0x69: {  	_ =	shalt  }
0x6a: {  	_ =	shalt  }
0x6b: {  	_ =	shalt  }
0x6c: {  	_ =	shalt  }
0x6d: {  	_ =	shalt  }
0x6e: {  	_ =	shalt  }
0x6f: {  	_ =	shalt  }
0x70: {  	_ =	shalt  }
0x71: {  	_ =	shalt  }
0x72: {  	_ =	shalt  }
0x73: {  	_ =	shalt  }
0x74: {  	_ =	shalt  }
0x75: {  	_ =	shalt  }
0x76: {  	_ =	shalt  }
0x77: {  	_ =	shalt  }
0x78: {  	_ =	shalt  }
0x79: {  	_ =	shalt  }
0x7a: {  	_ =	shalt  }
0x7b: {  	_ =	shalt  }
0x7c: {  	_ =	shalt  }
0x7d: {  	_ =	shalt  }
0x7e: {  	_ =	shalt  }
0x7f: {  	_ =	shalt  }
0x80: {  	_ =	shalt  }
0x81: {  	_ =	shalt  }
0x82: {  	_ =	shalt  }
0x83: {  	_ =	shalt  }
0x84: {  	_ =	shalt  }
0x85: {  	_ =	shalt  }
0x86: {  	_ =	shalt  }
0x87: {  	_ =	shalt  }
.Lfunc_end0:
.L_simem_size_0:
called_computation_lowered:
.L_overlay_start_0:
0x88: {  	s2 =	sld [smem:$0x3FD9]  }
0x89: {  	s3 =	sld [smem:$0x3FFE];
	_ =	sdelay $0x1  }
0x8a: {  	s1 =	srdreg.scid  }
0x8b: {  	s0 =	sand.u32 $0x1, s1  }
0x8c: {  	s17 =	sshll.u32 s0, $0xA;
	s2 =	sadd.s32 s3, s2  }
0x8d: {  	s2 =	sadd.s32 s2, s17  }
0x8e: {  	[smem:$0x3FC1] =	sst s2  }
0x8f: {  	_ = 	snop  }
0x90: {  	s2 =	sld [smem:$0x3FD0];
	(tm) =	ssettm $0x1  }
0x91: {  	s18 =	sld [smem:$0x3FFB];
	_ =	sdelay $0x3  }
0x92: {  	_ =	strace s18  }
0x93: {  	s3 =	sld [smem:$0x3FFC];
	_ =	sdelay $0x3  }
0x94: {  	_ =	strace s3  }
0x95: {  	s3 =	sld [smem:$0x3FFD];
	_ =	sdelay $0x3  }
0x96: {  	_ =	strace s3  }
0x97: {  	_ =	strace $0x8FFFFFFF  }
0x98: {  	s19 =	sld [smem:$0x3FDB];
	_ =	sdelay $0x1  }
0x99: {  	s4 =	simm.s32 $_scs_section_size  }
0x9a: {  	s5 =	simm.s32 $_size__tile_overlayer_lowered;
	s6 =	simm.s32 $_tile_overlayer_lowered  }
0x9b: {  	s22 =	simm.s32 $0x1BFF;
	s21 =	sshll.u32 s6, $0x1;
	s3 =	sadd.s32 s4, s19  }
0x9c: {  	s7 =	simm.s32 $0x0;
	s20 =	sshll.u32 s5, $0x1;
	s5 =	sadd.s32 s21, s3  }
0x9d: {  	[timem:s7], [sflag:s22] =	dma.local [hbm:s5], s20  }
0x9e: {  	_ =	swait.ge [sflag:s22], s20  }
0x9f: {  	s4 =	ssub.s32 $0x0, s20;
	[sflag:s22] =	ssyncset.done $0x0  }
0xa0: {  	[sflag:s22] =	ssyncadd.s32 s4;
	_ =	sdelay $0x1  }
0xa1: {  	s23 =	simm.s32 $0x1B8B  }
0xa2: {  	_ =	swait.ge [sflag:s23], $0x1  }
0xa3: {  	[sflag:s23] =	ssyncset.done $0x0  }
0xa4: {  	s25 =	simm.s32 $0x1B8E;
	s24 =	sld [smem:$0x3FFE];
	[sflag:s23] =	ssyncadd.s32 $0xFFFFFFFF  }
0xa5: {  	s26 =	simm.s32 $execute0_lowered;
	[smem:$0x3FD2] =	sst s25  }
0xa6: {  	s5 =	sshll.u32 s26, $0x1;
	_ =	strace $0x80000046;
	[dreg:$0x1] =	wrdreg $0xFFFFFFFF  }
0xa7: {  	s28 =	simm.s32 $_size_execute0_lowered;
	s3 =	sadd.s32 s3, s5;
	[dreg:$0x0] =	wrdreg $0x0  }
0xa8: {  	s5 =	sshll.u32 s28, $0x1;
	[dreg:$0x2] =	wrdreg s3  }
0xa9: {  	[dreg:$0x3] =	wrdreg s5  }
0xaa: {  	[dreg:$0x4] =	wrdreg $0xC0  }
0xab: {  	_ =	task [dreg:s7], $0x5FFFF  }
0xac: {  	[dreg:$0x1] =	wrdreg $0xFFFFFFFF  }
0xad: {  	[dreg:$0x0] =	wrdreg $0x60  }
0xae: {  	[dreg:$0x2] =	wrdreg s2  }
0xaf: {  	[dreg:$0x3] =	wrdreg s24  }
0xb0: {  	[dreg:$0x4] =	wrdreg $0x53200  }
0xb1: {  	[dreg:$0x5] =	wrdreg $0x9  }
0xb2: {  	_ =	task.clear_ibuf [dreg:s7], $0x6FFFF;
	_ =	strace $0x90000046  }
0xb3: {  	s29 =	simm.s32 $0x9;
	_ =	strace $0x80000048  }
0xb4: {  	_ =	swait.ge [sflag:s29], $0x1  }
0xb5: {  	[sflag:s29] =	ssyncadd.s32 $0xFFFFFFFF  }
0xb6: {  	_ =	strace $0x90000048  }
0xb7: {  	_ =	sfence  }
0xb8: {  	s30 =	sld [smem:$0x0];
	_ =	sdelay $0x2  }
0xb9: {  	s31 =	sshll.u32 s1, $0xD;
	s1 =	sshrl.u32 s1, $0x2  }
0xba: {  	s3 =	sand.u32 $0x4000, s31;
	s1 =	sadd.s32 s1, s30  }
0xbb: {  	s0 =	sor.u32 s3, s0;
	s1 =	sshll.u32 s1, $0x11  }
0xbc: {  	s0 =	sor.u32 s1, s0  }
0xbd: {  	s0 =	sadd.s32 $0x8F2B, s0  }
0xbe: {  	[sflag:s0] =	ssyncadd.remote.s32 $0x1  }
0xbf: {  	_ =	sfence.sel $0xFFFF  }
0xc0: {  	[dreg:$0x0] =	wrdreg $0xFFFFFFFF;
	(pc) =	sbr.abs _section_cstart, $3  }
0xc1: {  	[dreg:$0x1] =	wrdreg $0xFFFFFFFF  }
0xc2: {  	_ =	task.clear_ibuf [dreg:s7], $0x2FFFF;
	_ =	strace $0x9FFFFFFF  }
0xc3: {  	(tm) =	ssettm $0x7FFFFFFF  }
tec
execute0_lowered:
.L_overlay_start_1:
0x0: {  	(tag) =	ssettag $0x1  }
0x1: {  	s6 =	rddreg [dreg:$0x0]  }
0x2: {  	s7 =	rddreg [dreg:$0x1]  }
0x3: {  	s1 =	rddreg [dreg:$0x2];
	s2 =	srdreg.scid  }
0x4: {  	s0 =	rddreg [dreg:$0x3];
	s3 =	simm.s32 $0x0;
	s13 =	simm.s32 $0x50  }
0x5: {  	s16 =	simm.s32 $0x0;
	s8 =	sand.u32 $0x1, s2;
	s2 =	stileid.u32  }
0x6: {  	[smem:$0x7FF] =	sst s3;
	s4 =	sadd.s32 $0x2C00, s7;
	s9 =	smul.u32 $0x27100, s8  }
0x7: {  	s5 =	sadd.s32 $0x2A00, s7;
	s10 =	smul.u32 $0x2710, s2;
	_ =	strace $0x80000047  }
0x8: {  	s30 =	sshll.u32 s8, $0x4;
	s8 =	ssub.s32 $0x2, s8;
	s14 =	sshll.u32 s2, $0x6  }
0x9: {  	s11 =	smul.u32 $0x9C40, s2;
	s12 =	sshrl.u32 s8, $0x1;
	s14 =	sor.u32 $0x1C01, s14  }
0xa: {  	s9 =	sadd.s32 s10, s9;
	s10 =	sor.u32 s2, s30;
	s12 =	ssub.s32 s8, s12  }
0xb: {  	s31 =	sshrl.u32 s11, $0x2;
	s9 =	sshrl.u32 s9, $0x3;
	s10 =	smul.u32 $0x4E2, s10  }
0xc: {  	s11 =	simm.s32 $0x2710;
	s9 =	sadd.s32 s9, s7;
	s7 =	sadd.s32 s31, s1  }
0xd: {  	s6 =	sadd.s32 s6, s10;
	s8 =	sadd.s32 $0x3200, s9;
	s9 =	smax.u32 s12, $0x1  }
0xe: {  	s10 =	simm.s32 $0x1;
	s12 =	simm.s32 $0x2C10;
	s15 =	sshrl.u32 s7, $0x3  }
.LBB2_1:
0xf: {  	[tilespmem:s3], [sflag:$0x1] =	stream.linear.gather [hbm4b:s6+s3], $0x2710, $0x38;
	[tilespmem:$0x7A30] =	vst v63  }
0x10: {  	_ =	swait.ge [sflag:s10], $0x2710  }
0x11: {  	[sflag:s10] =	ssyncset.done $0x0  }
0x12: {  	[sflag:s10] =	ssyncadd.s32 $0xFFFFD8F0  }
0x13: {  	[tilespmem:s11], [sflag:$0x1] =	stream.linear.gather [hbm4b:s5+s3], $0x500, $0x38;
	[tilespmem:$0x7A30] =	vst v63  }
0x14: {  	_ =	swait.ge [sflag:s10], $0x500  }
0x15: {  	[sflag:s10] =	ssyncset.done $0x0  }
0x16: {  	[sflag:s10] =	ssyncadd.s32 $0xFFFFFB00  }
0x17: {  	[tilespmem:s12], [sflag:$0x1] =	stream.linear.gather [hbm4b:s4+s3], $0x2710, $0x38;
	[tilespmem:$0x7A30] =	vst v63  }
0x18: {  	_ =	swait.ge [sflag:s10], $0x2710  }
0x19: {  	[sflag:s10] =	ssyncset.done $0x0  }
0x1a: {  	[sflag:s10] =	ssyncadd.s32 $0xFFFFD8F0  }
0x1b: {  	[spmem:s7] =	stream.linear.scatter [tilespmem:s12], [sflag:$0x1], $0x2710, $0x38;
	[tilespmem:$0x7A30] =	vst v63  }
0x1c: {  	_ =	swait.ge [sflag:s10], $0x2710  }
0x1d: {  	[sflag:s10] =	ssyncset.done $0x0  }
0x1e: {  	[sflag:s10] =	ssyncadd.s32 $0xFFFFD8F0  }
0x1f: {  	s17 =	simm.s32 $0x0;
	[bflag:$0x0] =	sbarrier.arrive $0xFFFF  }
0x20: {  	[spmem:s1] =	stream.indirect.scatter.add.f32 [tilespmem:s11], [sflag:$0x1], $0x10, s17, s13, $0xb8;
	[tilespmem:$0x7A30] =	vst v63  }
0x21: {  	_ =	swait.ge [sflag:s10], $0x500  }
0x22: {  	s17 =	simm.s32 $0x140;
	[sflag:s10] =	ssyncset.done $0x0  }
.LBB2_2:
0x23: {  	s18 =	sshra.s32 s17, $0x2;
	[sflag:s10] =	ssyncadd.s32 $0xFFFFFB00;
	p0 =	sne.s32 s17, $0x9B00  }
0x24: {  	[spmem:s1] =	stream.indirect.scatter.add.f32 [tilespmem:s11], [sflag:$0x1], $0x10, s18, s13, $0xb8;
	[tilespmem:$0x7A30] =	vst v63  }
.Ltmp0:
0x25: {  	_ = 	snop;
	(pc) =	sbr.rel @p0 .LBB2_2-.Ltmp0, $4  }
0x26: {  	_ = 	snop  }
0x27: {  	s17 =	sadd.s32 $0x140, s17  }
0x28: {  	_ =	swait.ge [sflag:s10], $0x500  }
0x29: {  	[sflag:s10] =	ssyncset.done $0x0  }
0x2a: {  	s16 =	sadd.s32 $0x1, s16  }
0x2b: {  	[sflag:s10] =	ssyncadd.s32 $0xFFFFFB00;
	p0 =	sne.s32 s16, s9  }
.Ltmp1:
0x2c: {  	[bflag:$0x0] =	sbarrier.arrive $0xFFFF;
	(pc) =	sbr.rel @p0 .LBB2_1-.Ltmp1, $4  }
0x2d: {  	[hbm:s8], [sflag:s14] =	dma.local [spmem:s15], $0x4E2  }
0x2e: {  	_ =	swait.ge [sflag:s10], $0x4E2  }
0x2f: {  	[sflag:s10] =	ssyncset.done $0x0  }
0x30: {  	[sflag:s10] =	ssyncadd.s32 $0xFFFFFB1E  }
0x31: {  	_ =	sfence.sel $0x180000  }
0x32: {  	[bflag:$0x0] =	sbarrier.arrive $0xFFFF  }
0x33: {  	p0 =	sne.s32 s2, $0x0;
	_ =	strace $0x90000047  }
0x34: {  	s0 =	sadd.s32 @!p0 $0x100000, s0;
	[bflag:$0x2] =	sbarrier.arrive $0xFFFF  }
0x35: {  	[sflag:s0] =	ssyncadd.tile.s32 @!p0 $0x1;
	_ =	shalt  }
.Lfunc_end2:
_tile_overlayer_lowered:
.L_overlay_start_2:
0x36: {  	(tag) =	ssettag $0x2  }
0x37: {  	s0 =	rddreg [dreg:$0x0];
	s2 =	stileid.u32  }
0x38: {  	s1 =	rddreg [dreg:$0x1];
	p0 =	sne.s32 s2, $0x0  }
0x39: {  	s3 =	rddreg [dreg:$0x2];
	[bflag:$0x3] =	sbarrier.arrive $0xFFFF;
	s2 =	simm.s32 @!p0 $0x1C01  }
0x3a: {  	[timem:s3], [sflag:s2] =	dma.local @!p0 [hbm:s0], s1  }
0x3b: {  	s0 =	simm.s32 @!p0 $0x1  }
0x3c: {  	_ =	swait.ge @!p0 [sflag:s0], s1  }
0x3d: {  	s1 =	ssub.s32 @!p0 $0x0, s1;
	[sflag:s0] =	ssyncset.done @!p0 $0x0  }
0x3e: {  	[sflag:s0] =	ssyncadd.s32 @!p0 s1  }
0x3f: {  	[bflag:$0x3] =	sbarrier.arrive $0xFFFF  }
0x40: {  	_ =	shalt  }

</sc_bundles>
